<compile_context>
chip_gen: v7x
topology: tpu7x:2x2x1
jax: 0.10.2.dev20260603
libtpu: 0.0.44.dev20260713+nightly
codegen_flags: <defaults>
</compile_context>

<pallas_src>
import jax
import jax.numpy as jnp
from jax import lax
from jax.experimental import pallas as pl
from jax.experimental.pallas import tpu as pltpu
from jax.experimental.pallas import tpu_sc as plsc

NUM_CORES = 2
NUM_SUBCORES = 16
NUM_WORKERS = NUM_CORES * NUM_SUBCORES
LANES = 16
D = 64
ROWS_PER_TILE = 31250
MAX_CHUNK = 625
CHUNK = 128
N_CHUNKS = 50


def _wid():
    return lax.axis_index("s") * NUM_CORES + lax.axis_index("c")



def _max_body(table_hbm, part_hbm, buf0, buf1, acc_v, s0, s1):
    wid = _wid()
    base = wid * ROWS_PER_TILE

    def chunk_start(j, buf, sem):
        pltpu.async_copy(
            table_hbm.at[pl.ds(base + j * MAX_CHUNK, MAX_CHUNK)], buf, sem)

    def chunk_wait(buf, sem):
        pltpu.make_async_copy(
            table_hbm.at[pl.ds(base, MAX_CHUNK)], buf, sem).wait()

    def chunk_reduce(buf, acc):
        def row_body(r, a):
            for c in range(D // LANES):
                a = jnp.maximum(a, jnp.abs(buf[r, pl.ds(c * LANES, LANES)]))
            return a

        return lax.fori_loop(0, MAX_CHUNK, row_body, acc, unroll=4)

    chunk_start(0, buf0, s0)
    chunk_start(1, buf1, s1)
    n_pairs = ROWS_PER_TILE // MAX_CHUNK // 2

    def body(t, acc):
        chunk_wait(buf0, s0)
        acc = chunk_reduce(buf0, acc)

        @pl.when(t < n_pairs - 1)
        def _():
            chunk_start(2 * t + 2, buf0, s0)

        chunk_wait(buf1, s1)
        acc = chunk_reduce(buf1, acc)

        @pl.when(t < n_pairs - 1)
        def _():
            chunk_start(2 * t + 3, buf1, s1)

        return acc

    acc = lax.fori_loop(0, n_pairs, body, jnp.zeros((LANES,), jnp.float32))
    acc_v[...] = acc
    pltpu.sync_copy(acc_v, part_hbm.at[wid])


def _max_partials(weight):
    mesh = plsc.VectorSubcoreMesh(core_axis_name="c", subcore_axis_name="s")
    f = pl.kernel(
        _max_body,
        out_type=jax.ShapeDtypeStruct((NUM_WORKERS, LANES), jnp.float32),
        mesh=mesh,
        scratch_types=[
            pltpu.VMEM((MAX_CHUNK, D), jnp.float32),
            pltpu.VMEM((MAX_CHUNK, D), jnp.float32),
            pltpu.VMEM((LANES,), jnp.float32),
            pltpu.SemaphoreType.DMA,
            pltpu.SemaphoreType.DMA,
        ],
        compiler_params=pltpu.CompilerParams(use_tc_tiling_on_sc=False),
    )
    return f(weight)



def _gather_body(idx_hbm, table_hbm, maxv_hbm, out_hbm,
                 idx_v, maxv_v, rows0, rows1, out0, out1,
                 g0, g1, o0, o1):
    wid = _wid()
    base = wid * (N_CHUNKS * CHUNK)

    pltpu.sync_copy(idx_hbm.at[wid], idx_v)
    pltpu.sync_copy(maxv_hbm, maxv_v)

    vmax = maxv_v[...]
    vneg = -vmax
    vthr = vmax * (2.0 ** -24)

    def quantize(rows_v, out_v):
        def row_body(r, carry):
            for c in range(D // LANES):
                w = rows_v[r, pl.ds(c * LANES, LANES)]
                out_v[r, pl.ds(c * LANES, LANES)] = jnp.where(
                    w > vthr, vmax, vneg)
            return carry

        lax.fori_loop(0, CHUNK, row_body, 0, unroll=4)

    pltpu.async_copy(table_hbm.at[idx_v.at[0]], rows0, g0)
    pltpu.async_copy(table_hbm.at[idx_v.at[1]], rows1, g1)
    n_pairs = N_CHUNKS // 2

    def out_slice(j):
        return out_hbm.at[pl.ds(base + j * CHUNK, CHUNK)]

    def body(t, carry):
        pltpu.make_async_copy(table_hbm.at[idx_v.at[2 * t]], rows0, g0).wait()

        @pl.when(t > 0)
        def _():
            pltpu.make_async_copy(out0, out_slice(0), o0).wait()

        quantize(rows0, out0)
        pltpu.async_copy(out0, out_slice(2 * t), o0)

        @pl.when(t < n_pairs - 1)
        def _():
            pltpu.async_copy(table_hbm.at[idx_v.at[2 * t + 2]], rows0, g0)

        pltpu.make_async_copy(
            table_hbm.at[idx_v.at[2 * t + 1]], rows1, g1).wait()

        @pl.when(t > 0)
        def _():
            pltpu.make_async_copy(out1, out_slice(0), o1).wait()

        quantize(rows1, out1)
        pltpu.async_copy(out1, out_slice(2 * t + 1), o1)

        @pl.when(t < n_pairs - 1)
        def _():
            pltpu.async_copy(table_hbm.at[idx_v.at[2 * t + 3]], rows1, g1)

        return carry

    lax.fori_loop(0, n_pairs, body, 0)
    pltpu.make_async_copy(out0, out_slice(0), o0).wait()
    pltpu.make_async_copy(out1, out_slice(0), o1).wait()


def _gather_quant(idx3, weight, maxvec):
    total = NUM_WORKERS * N_CHUNKS * CHUNK
    mesh = plsc.VectorSubcoreMesh(core_axis_name="c", subcore_axis_name="s")
    f = pl.kernel(
        _gather_body,
        out_type=jax.ShapeDtypeStruct((total, D), jnp.float32),
        mesh=mesh,
        scratch_types=[
            pltpu.VMEM((N_CHUNKS, CHUNK), jnp.int32),
            pltpu.VMEM((LANES,), jnp.float32),
            pltpu.VMEM((CHUNK, D), jnp.float32),
            pltpu.VMEM((CHUNK, D), jnp.float32),
            pltpu.VMEM((CHUNK, D), jnp.float32),
            pltpu.VMEM((CHUNK, D), jnp.float32),
            pltpu.SemaphoreType.DMA,
            pltpu.SemaphoreType.DMA,
            pltpu.SemaphoreType.DMA,
            pltpu.SemaphoreType.DMA,
        ],
        compiler_params=pltpu.CompilerParams(use_tc_tiling_on_sc=False),
    )
    return f(idx3, weight, maxvec)


def kernel(input, weight):
    b, s = input.shape
    total = b * s
    assert NUM_WORKERS * N_CHUNKS * CHUNK == total
    idx3 = input.astype(jnp.int32).reshape(NUM_WORKERS, N_CHUNKS, CHUNK)
    partials = _max_partials(weight)
    maxvec = jnp.broadcast_to(jnp.max(partials), (LANES,))
    out = _gather_quant(idx3, weight, maxvec)
    return out.reshape(b, s, D)

# --- scband reference (transcript-rebuilt; emitter-appended) ---
"""Pipeline reference for scband-quantized-embedding-75136157876559 (READ-ONLY COPY).

The authoritative reference and input builder live on the scoring server;
editing this copy changes nothing except your own understanding.
"""

import jax, jax.numpy as jnp
import numpy as np

BITW = 1
N_LEVELS = float(2 ** BITW - 1)

@jax.custom_vjp
def ste_quantize(w):
    return jnp.round(w * N_LEVELS) / N_LEVELS

def _ste_fwd(w):
    return ste_quantize(w), w

def _ste_bwd(w, g):
    gate = (jnp.abs(w) <= 1.0).astype(g.dtype)
    return (g * gate,)

ste_quantize.defvjp(_ste_fwd, _ste_bwd)

def setup_inputs(seed: int = 0) -> dict:
    key = jax.random.key(seed)
    k1, k2 = jax.random.split(key)
    num_embeddings = 1000000
    embedding_dim = 64
    indices = jax.random.randint(k1, (4096, 50), 0, num_embeddings, dtype=jnp.int64)
    weight = jax.random.normal(k2, (num_embeddings, embedding_dim), dtype=jnp.float32)
    return {"input": indices, "weight": weight}

def reference(input, weight):
    # quantized_type='basic' path with bitW=1
    max_value = jnp.max(jnp.abs(jax.lax.stop_gradient(weight)))
    pre_quantized_weight = weight / max_value * 0.5 + 0.5
    quantized_weight = max_value * (2.0 * ste_quantize(pre_quantized_weight) - 1.0)
    return jnp.take(quantized_weight, input, axis=0)

if __name__ == "__main__":
    import jax
    _d = setup_inputs()
    print(jax.jit(kernel)(*tuple(_d.values())))

</pallas_src>

<mosaic_0001>
#map = affine_map<(d0, d1) -> (0, 0)>
module attributes {stable_mosaic.version = 14 : i64} {
  func.func @_max_body(%arg0: i32, %arg1: i32, %arg2: memref<1000000x64xf32, #tpu.memory_space<hbm>>, %arg3: memref<32x16xf32, #tpu.memory_space<hbm>>, %arg4: memref<625x64xf32, #tpu.memory_space<vmem>>, %arg5: memref<625x64xf32, #tpu.memory_space<vmem>>, %arg6: memref<16xf32, #tpu.memory_space<vmem>>, %arg7: memref<!tpu.dma_semaphore, #tpu.memory_space<semaphore_mem>>, %arg8: memref<!tpu.dma_semaphore, #tpu.memory_space<semaphore_mem>>) attributes {dimension_semantics = [#tpu.dimension_semantics<core_parallel>, #tpu.dimension_semantics<subcore_parallel>], iteration_bounds = array<i64: 2, 16>, scalar_prefetch = 0 : i64, scratch_operands = 5 : i64, tpu.core_type = #tpu.core_type<sc_vector_subcore>, window_params = [{transform_indices = #map}, {transform_indices = #map}]} {
    %mul3A = arith.constant 2 : i32
    %mul3A_0 = arith.muli %arg1, %mul3A : i32
    %add3A = arith.addi %mul3A_0, %arg0 : i32
    %mul3A_1 = arith.constant 31250 : i32
    %mul3A_2 = arith.muli %add3A, %mul3A_1 : i32
    %add3A_3 = arith.constant 0 : i32
    %add3A_4 = arith.addi %mul3A_2, %add3A_3 : i32
    %dma_start3A = arith.constant 0 : i32
    %dma_start3A_5 = tpu.memref_slice %arg2[%add3A_4, %dma_start3A] : memref<1000000x64xf32, #tpu.memory_space<hbm>> -> memref<625x64xf32, #tpu.memory_space<hbm>>
    %dma_start3A_6 = arith.constant 0 : i32
    %dma_start3A_7 = tpu.memref_slice %arg2[%add3A_4, %dma_start3A_6] : memref<1000000x64xf32, #tpu.memory_space<hbm>> -> memref<625x64xf32, #tpu.memory_space<hbm>>
    tpu.enqueue_dma source(%dma_start3A_7 : memref<625x64xf32, #tpu.memory_space<hbm>>) target(%arg4 : memref<625x64xf32, #tpu.memory_space<vmem>>) target_semaphore(%arg7 : memref<!tpu.dma_semaphore, #tpu.memory_space<semaphore_mem>>)
    %add3A_8 = arith.constant 625 : i32
    %add3A_9 = arith.addi %mul3A_2, %add3A_8 : i32
    %dma_start3A_10 = arith.constant 0 : i32
    %dma_start3A_11 = tpu.memref_slice %arg2[%add3A_9, %dma_start3A_10] : memref<1000000x64xf32, #tpu.memory_space<hbm>> -> memref<625x64xf32, #tpu.memory_space<hbm>>
    %dma_start3A_12 = arith.constant 0 : i32
    %dma_start3A_13 = tpu.memref_slice %arg2[%add3A_9, %dma_start3A_12] : memref<1000000x64xf32, #tpu.memory_space<hbm>> -> memref<625x64xf32, #tpu.memory_space<hbm>>
    tpu.enqueue_dma source(%dma_start3A_13 : memref<625x64xf32, #tpu.memory_space<hbm>>) target(%arg5 : memref<625x64xf32, #tpu.memory_space<vmem>>) target_semaphore(%arg8 : memref<!tpu.dma_semaphore, #tpu.memory_space<semaphore_mem>>)
    %broadcast_in_dim3A = arith.constant 0.000000e+00 : f32
    %broadcast_in_dim3A_14 = vector.broadcast %broadcast_in_dim3A : f32 to vector<16xf32>
    %scan3A = arith.constant 0 : i32
    %scan3A_15 = arith.constant 25 : i32
    %scan3A_16 = arith.addi %scan3A, %scan3A_15 : i32
    %scan3A_17 = arith.constant 1 : i32
    %scan3A_18 = scf.for %scan3A_23 = %scan3A to %scan3A_16 step %scan3A_17 iter_args(%scan3A_24 = %broadcast_in_dim3A_14) -> (vector<16xf32>)  : i32 {
      %dma_wait3A = arith.constant 0 : i32
      %dma_wait3A_25 = tpu.memref_slice %arg2[%mul3A_2, %dma_wait3A] : memref<1000000x64xf32, #tpu.memory_space<hbm>> -> memref<625x64xf32, #tpu.memory_space<hbm>>
      %dma_wait3A_26 = arith.constant 0 : i32
      %dma_wait3A_27 = tpu.memref_slice %arg2[%mul3A_2, %dma_wait3A_26] : memref<1000000x64xf32, #tpu.memory_space<hbm>> -> memref<625x64xf32, #tpu.memory_space<hbm>>
      tpu.wait_dma2 semaphore(%arg7 : memref<!tpu.dma_semaphore, #tpu.memory_space<semaphore_mem>>) src(%dma_wait3A_27 : memref<625x64xf32, #tpu.memory_space<hbm>>) dst(%arg4 : memref<625x64xf32, #tpu.memory_space<vmem>>)
      %scan3A_28 = arith.constant 0 : i32
      %scan3A_29 = arith.constant 624 : i32
      %scan3A_30 = arith.addi %scan3A_28, %scan3A_29 : i32
      %scan3A_31 = arith.constant 4 : i32
      %scan3A_32 = scf.for %scan3A_100 = %scan3A_28 to %scan3A_30 step %scan3A_31 iter_args(%scan3A_101 = %scan3A_24) -> (vector<16xf32>)  : i32 {
        %get3A_102 = arith.index_cast %scan3A_100 : i32 to index
        %get3A_103 = arith.constant 0 : index
        %get3A_104 = tpu.vector_load %arg4[%get3A_102, %get3A_103] {strides = array<i32>} : memref<625x64xf32, #tpu.memory_space<vmem>>, vector<1x16xf32>,
        %get3A_105 = vector.shape_cast %get3A_104 : vector<1x16xf32> to vector<16xf32>
        %abs3A_106 = math.absf %get3A_105 : vector<16xf32>
        %max3A_107 = arith.maximumf %scan3A_101, %abs3A_106 : vector<16xf32>
        %get3A_108 = arith.index_cast %scan3A_100 : i32 to index
        %get3A_109 = arith.constant 16 : index
        %get3A_110 = tpu.vector_load %arg4[%get3A_108, %get3A_109] {strides = array<i32>} : memref<625x64xf32, #tpu.memory_space<vmem>>, vector<1x16xf32>,
        %get3A_111 = vector.shape_cast %get3A_110 : vector<1x16xf32> to vector<16xf32>
        %abs3A_112 = math.absf %get3A_111 : vector<16xf32>
        %max3A_113 = arith.maximumf %max3A_107, %abs3A_112 : vector<16xf32>
        %get3A_114 = arith.index_cast %scan3A_100 : i32 to index
        %get3A_115 = arith.constant 32 : index
        %get3A_116 = tpu.vector_load %arg4[%get3A_114, %get3A_115] {strides = array<i32>} : memref<625x64xf32, #tpu.memory_space<vmem>>, vector<1x16xf32>,
        %get3A_117 = vector.shape_cast %get3A_116 : vector<1x16xf32> to vector<16xf32>
        %abs3A_118 = math.absf %get3A_117 : vector<16xf32>
        %max3A_119 = arith.maximumf %max3A_113, %abs3A_118 : vector<16xf32>
        %get3A_120 = arith.index_cast %scan3A_100 : i32 to index
        %get3A_121 = arith.constant 48 : index
        %get3A_122 = tpu.vector_load %arg4[%get3A_120, %get3A_121] {strides = array<i32>} : memref<625x64xf32, #tpu.memory_space<vmem>>, vector<1x16xf32>,
        %get3A_123 = vector.shape_cast %get3A_122 : vector<1x16xf32> to vector<16xf32>
        %abs3A_124 = math.absf %get3A_123 : vector<16xf32>
        %max3A_125 = arith.maximumf %max3A_119, %abs3A_124 : vector<16xf32>
        %scan3A_126 = arith.constant 1 : i32
        %scan3A_127 = arith.addi %scan3A_100, %scan3A_126 : i32
        %get3A_128 = arith.index_cast %scan3A_127 : i32 to index
        %get3A_129 = arith.constant 0 : index
        %get3A_130 = tpu.vector_load %arg4[%get3A_128, %get3A_129] {strides = array<i32>} : memref<625x64xf32, #tpu.memory_space<vmem>>, vector<1x16xf32>,
        %get3A_131 = vector.shape_cast %get3A_130 : vector<1x16xf32> to vector<16xf32>
        %abs3A_132 = math.absf %get3A_131 : vector<16xf32>
        %max3A_133 = arith.maximumf %max3A_125, %abs3A_132 : vector<16xf32>
        %get3A_134 = arith.index_cast %scan3A_127 : i32 to index
        %get3A_135 = arith.constant 16 : index
        %get3A_136 = tpu.vector_load %arg4[%get3A_134, %get3A_135] {strides = array<i32>} : memref<625x64xf32, #tpu.memory_space<vmem>>, vector<1x16xf32>,
        %get3A_137 = vector.shape_cast %get3A_136 : vector<1x16xf32> to vector<16xf32>
        %abs3A_138 = math.absf %get3A_137 : vector<16xf32>
        %max3A_139 = arith.maximumf %max3A_133, %abs3A_138 : vector<16xf32>
        %get3A_140 = arith.index_cast %scan3A_127 : i32 to index
        %get3A_141 = arith.constant 32 : index
        %get3A_142 = tpu.vector_load %arg4[%get3A_140, %get3A_141] {strides = array<i32>} : memref<625x64xf32, #tpu.memory_space<vmem>>, vector<1x16xf32>,
        %get3A_143 = vector.shape_cast %get3A_142 : vector<1x16xf32> to vector<16xf32>
        %abs3A_144 = math.absf %get3A_143 : vector<16xf32>
        %max3A_145 = arith.maximumf %max3A_139, %abs3A_144 : vector<16xf32>
        %get3A_146 = arith.index_cast %scan3A_127 : i32 to index
        %get3A_147 = arith.constant 48 : index
        %get3A_148 = tpu.vector_load %arg4[%get3A_146, %get3A_147] {strides = array<i32>} : memref<625x64xf32, #tpu.memory_space<vmem>>, vector<1x16xf32>,
        %get3A_149 = vector.shape_cast %get3A_148 : vector<1x16xf32> to vector<16xf32>
        %abs3A_150 = math.absf %get3A_149 : vector<16xf32>
        %max3A_151 = arith.maximumf %max3A_145, %abs3A_150 : vector<16xf32>
        %scan3A_152 = arith.constant 2 : i32
        %scan3A_153 = arith.addi %scan3A_100, %scan3A_152 : i32
        %get3A_154 = arith.index_cast %scan3A_153 : i32 to index
        %get3A_155 = arith.constant 0 : index
        %get3A_156 = tpu.vector_load %arg4[%get3A_154, %get3A_155] {strides = array<i32>} : memref<625x64xf32, #tpu.memory_space<vmem>>, vector<1x16xf32>,
        %get3A_157 = vector.shape_cast %get3A_156 : vector<1x16xf32> to vector<16xf32>
        %abs3A_158 = math.absf %get3A_157 : vector<16xf32>
        %max3A_159 = arith.maximumf %max3A_151, %abs3A_158 : vector<16xf32>
        %get3A_160 = arith.index_cast %scan3A_153 : i32 to index
        %get3A_161 = arith.constant 16 : index
        %get3A_162 = tpu.vector_load %arg4[%get3A_160, %get3A_161] {strides = array<i32>} : memref<625x64xf32, #tpu.memory_space<vmem>>, vector<1x16xf32>,
        %get3A_163 = vector.shape_cast %get3A_162 : vector<1x16xf32> to vector<16xf32>
        %abs3A_164 = math.absf %get3A_163 : vector<16xf32>
        %max3A_165 = arith.maximumf %max3A_159, %abs3A_164 : vector<16xf32>
        %get3A_166 = arith.index_cast %scan3A_153 : i32 to index
        %get3A_167 = arith.constant 32 : index
        %get3A_168 = tpu.vector_load %arg4[%get3A_166, %get3A_167] {strides = array<i32>} : memref<625x64xf32, #tpu.memory_space<vmem>>, vector<1x16xf32>,
        %get3A_169 = vector.shape_cast %get3A_168 : vector<1x16xf32> to vector<16xf32>
        %abs3A_170 = math.absf %get3A_169 : vector<16xf32>
        %max3A_171 = arith.maximumf %max3A_165, %abs3A_170 : vector<16xf32>
        %get3A_172 = arith.index_cast %scan3A_153 : i32 to index
        %get3A_173 = arith.constant 48 : index
        %get3A_174 = tpu.vector_load %arg4[%get3A_172, %get3A_173] {strides = array<i32>} : memref<625x64xf32, #tpu.memory_space<vmem>>, vector<1x16xf32>,
        %get3A_175 = vector.shape_cast %get3A_174 : vector<1x16xf32> to vector<16xf32>
        %abs3A_176 = math.absf %get3A_175 : vector<16xf32>
        %max3A_177 = arith.maximumf %max3A_171, %abs3A_176 : vector<16xf32>
        %scan3A_178 = arith.constant 3 : i32
        %scan3A_179 = arith.addi %scan3A_100, %scan3A_178 : i32
        %get3A_180 = arith.index_cast %scan3A_179 : i32 to index
        %get3A_181 = arith.constant 0 : index
        %get3A_182 = tpu.vector_load %arg4[%get3A_180, %get3A_181] {strides = array<i32>} : memref<625x64xf32, #tpu.memory_space<vmem>>, vector<1x16xf32>,
        %get3A_183 = vector.shape_cast %get3A_182 : vector<1x16xf32> to vector<16xf32>
        %abs3A_184 = math.absf %get3A_183 : vector<16xf32>
        %max3A_185 = arith.maximumf %max3A_177, %abs3A_184 : vector<16xf32>
        %get3A_186 = arith.index_cast %scan3A_179 : i32 to index
        %get3A_187 = arith.constant 16 : index
        %get3A_188 = tpu.vector_load %arg4[%get3A_186, %get3A_187] {strides = array<i32>} : memref<625x64xf32, #tpu.memory_space<vmem>>, vector<1x16xf32>,
        %get3A_189 = vector.shape_cast %get3A_188 : vector<1x16xf32> to vector<16xf32>
        %abs3A_190 = math.absf %get3A_189 : vector<16xf32>
        %max3A_191 = arith.maximumf %max3A_185, %abs3A_190 : vector<16xf32>
        %get3A_192 = arith.index_cast %scan3A_179 : i32 to index
        %get3A_193 = arith.constant 32 : index
        %get3A_194 = tpu.vector_load %arg4[%get3A_192, %get3A_193] {strides = array<i32>} : memref<625x64xf32, #tpu.memory_space<vmem>>, vector<1x16xf32>,
        %get3A_195 = vector.shape_cast %get3A_194 : vector<1x16xf32> to vector<16xf32>
        %abs3A_196 = math.absf %get3A_195 : vector<16xf32>
        %max3A_197 = arith.maximumf %max3A_191, %abs3A_196 : vector<16xf32>
        %get3A_198 = arith.index_cast %scan3A_179 : i32 to index
        %get3A_199 = arith.constant 48 : index
        %get3A_200 = tpu.vector_load %arg4[%get3A_198, %get3A_199] {strides = array<i32>} : memref<625x64xf32, #tpu.memory_space<vmem>>, vector<1x16xf32>,
        %get3A_201 = vector.shape_cast %get3A_200 : vector<1x16xf32> to vector<16xf32>
        %abs3A_202 = math.absf %get3A_201 : vector<16xf32>
        %max3A_203 = arith.maximumf %max3A_197, %abs3A_202 : vector<16xf32>
        scf.yield %max3A_203 : vector<16xf32>
      }
      %scan3A_33 = arith.constant 624 : i32
      %scan3A_34 = arith.addi %scan3A_28, %scan3A_33 : i32
      %get3A = arith.index_cast %scan3A_34 : i32 to index
      %get3A_35 = arith.constant 0 : index
      %get3A_36 = tpu.vector_load %arg4[%get3A, %get3A_35] {strides = array<i32>} : memref<625x64xf32, #tpu.memory_space<vmem>>, vector<1x16xf32>,
      %get3A_37 = vector.shape_cast %get3A_36 : vector<1x16xf32> to vector<16xf32>
      %abs3A = math.absf %get3A_37 : vector<16xf32>
      %max3A = arith.maximumf %scan3A_32, %abs3A : vector<16xf32>
      %get3A_38 = arith.index_cast %scan3A_34 : i32 to index
      %get3A_39 = arith.constant 16 : index
      %get3A_40 = tpu.vector_load %arg4[%get3A_38, %get3A_39] {strides = array<i32>} : memref<625x64xf32, #tpu.memory_space<vmem>>, vector<1x16xf32>,
      %get3A_41 = vector.shape_cast %get3A_40 : vector<1x16xf32> to vector<16xf32>
      %abs3A_42 = math.absf %get3A_41 : vector<16xf32>
      %max3A_43 = arith.maximumf %max3A, %abs3A_42 : vector<16xf32>
      %get3A_44 = arith.index_cast %scan3A_34 : i32 to index
      %get3A_45 = arith.constant 32 : index
      %get3A_46 = tpu.vector_load %arg4[%get3A_44, %get3A_45] {strides = array<i32>} : memref<625x64xf32, #tpu.memory_space<vmem>>, vector<1x16xf32>,
      %get3A_47 = vector.shape_cast %get3A_46 : vector<1x16xf32> to vector<16xf32>
      %abs3A_48 = math.absf %get3A_47 : vector<16xf32>
      %max3A_49 = arith.maximumf %max3A_43, %abs3A_48 : vector<16xf32>
      %get3A_50 = arith.index_cast %scan3A_34 : i32 to index
      %get3A_51 = arith.constant 48 : index
      %get3A_52 = tpu.vector_load %arg4[%get3A_50, %get3A_51] {strides = array<i32>} : memref<625x64xf32, #tpu.memory_space<vmem>>, vector<1x16xf32>,
      %get3A_53 = vector.shape_cast %get3A_52 : vector<1x16xf32> to vector<16xf32>
      %abs3A_54 = math.absf %get3A_53 : vector<16xf32>
      %max3A_55 = arith.maximumf %max3A_49, %abs3A_54 : vector<16xf32>
      %scan3A_56 = arith.constant 625 : i32
      %lt3A = arith.constant 24 : i32
      %lt3A_57 = arith.cmpi slt, %scan3A_23, %lt3A : i32
      %convert_element_type3A = arith.extui %lt3A_57 : i1 to i32
      %cond3A = arith.constant 0 : i32
      %cond3A_58 = arith.cmpi ne, %convert_element_type3A, %cond3A : i32
      scf.if %cond3A_58 {
        %mul3A_100 = arith.constant 2 : i32
        %mul3A_101 = arith.muli %mul3A_100, %scan3A_23 : i32
        %add3A_102 = arith.constant 2 : i32
        %add3A_103 = arith.addi %mul3A_101, %add3A_102 : i32
        %mul3A_104 = arith.constant 625 : i32
        %mul3A_105 = arith.muli %add3A_103, %mul3A_104 : i32
        %add3A_106 = arith.addi %mul3A_2, %mul3A_105 : i32
        %dma_start3A_107 = arith.constant 0 : i32
        %dma_start3A_108 = tpu.memref_slice %arg2[%add3A_106, %dma_start3A_107] : memref<1000000x64xf32, #tpu.memory_space<hbm>> -> memref<625x64xf32, #tpu.memory_space<hbm>>
        %dma_start3A_109 = arith.constant 0 : i32
        %dma_start3A_110 = tpu.memref_slice %arg2[%add3A_106, %dma_start3A_109] : memref<1000000x64xf32, #tpu.memory_space<hbm>> -> memref<625x64xf32, #tpu.memory_space<hbm>>
        tpu.enqueue_dma source(%dma_start3A_110 : memref<625x64xf32, #tpu.memory_space<hbm>>) target(%arg4 : memref<625x64xf32, #tpu.memory_space<vmem>>) target_semaphore(%arg7 : memref<!tpu.dma_semaphore, #tpu.memory_space<semaphore_mem>>)
      } else {
      }
      %dma_wait3A_59 = arith.constant 0 : i32
      %dma_wait3A_60 = tpu.memref_slice %arg2[%mul3A_2, %dma_wait3A_59] : memref<1000000x64xf32, #tpu.memory_space<hbm>> -> memref<625x64xf32, #tpu.memory_space<hbm>>
      %dma_wait3A_61 = arith.constant 0 : i32
      %dma_wait3A_62 = tpu.memref_slice %arg2[%mul3A_2, %dma_wait3A_61] : memref<1000000x64xf32, #tpu.memory_space<hbm>> -> memref<625x64xf32, #tpu.memory_space<hbm>>
      tpu.wait_dma2 semaphore(%arg8 : memref<!tpu.dma_semaphore, #tpu.memory_space<semaphore_mem>>) src(%dma_wait3A_62 : memref<625x64xf32, #tpu.memory_space<hbm>>) dst(%arg5 : memref<625x64xf32, #tpu.memory_space<vmem>>)
      %scan3A_63 = arith.constant 0 : i32
      %scan3A_64 = arith.constant 624 : i32
      %scan3A_65 = arith.addi %scan3A_63, %scan3A_64 : i32
      %scan3A_66 = arith.constant 4 : i32
      %scan3A_67 = scf.for %scan3A_100 = %scan3A_63 to %scan3A_65 step %scan3A_66 iter_args(%scan3A_101 = %max3A_55) -> (vector<16xf32>)  : i32 {
        %get3A_102 = arith.index_cast %scan3A_100 : i32 to index
        %get3A_103 = arith.constant 0 : index
        %get3A_104 = tpu.vector_load %arg5[%get3A_102, %get3A_103] {strides = array<i32>} : memref<625x64xf32, #tpu.memory_space<vmem>>, vector<1x16xf32>,
        %get3A_105 = vector.shape_cast %get3A_104 : vector<1x16xf32> to vector<16xf32>
        %abs3A_106 = math.absf %get3A_105 : vector<16xf32>
        %max3A_107 = arith.maximumf %scan3A_101, %abs3A_106 : vector<16xf32>
        %get3A_108 = arith.index_cast %scan3A_100 : i32 to index
        %get3A_109 = arith.constant 16 : index
        %get3A_110 = tpu.vector_load %arg5[%get3A_108, %get3A_109] {strides = array<i32>} : memref<625x64xf32, #tpu.memory_space<vmem>>, vector<1x16xf32>,
        %get3A_111 = vector.shape_cast %get3A_110 : vector<1x16xf32> to vector<16xf32>
        %abs3A_112 = math.absf %get3A_111 : vector<16xf32>
        %max3A_113 = arith.maximumf %max3A_107, %abs3A_112 : vector<16xf32>
        %get3A_114 = arith.index_cast %scan3A_100 : i32 to index
        %get3A_115 = arith.constant 32 : index
        %get3A_116 = tpu.vector_load %arg5[%get3A_114, %get3A_115] {strides = array<i32>} : memref<625x64xf32, #tpu.memory_space<vmem>>, vector<1x16xf32>,
        %get3A_117 = vector.shape_cast %get3A_116 : vector<1x16xf32> to vector<16xf32>
        %abs3A_118 = math.absf %get3A_117 : vector<16xf32>
        %max3A_119 = arith.maximumf %max3A_113, %abs3A_118 : vector<16xf32>
        %get3A_120 = arith.index_cast %scan3A_100 : i32 to index
        %get3A_121 = arith.constant 48 : index
        %get3A_122 = tpu.vector_load %arg5[%get3A_120, %get3A_121] {strides = array<i32>} : memref<625x64xf32, #tpu.memory_space<vmem>>, vector<1x16xf32>,
        %get3A_123 = vector.shape_cast %get3A_122 : vector<1x16xf32> to vector<16xf32>
        %abs3A_124 = math.absf %get3A_123 : vector<16xf32>
        %max3A_125 = arith.maximumf %max3A_119, %abs3A_124 : vector<16xf32>
        %scan3A_126 = arith.constant 1 : i32
        %scan3A_127 = arith.addi %scan3A_100, %scan3A_126 : i32
        %get3A_128 = arith.index_cast %scan3A_127 : i32 to index
        %get3A_129 = arith.constant 0 : index
        %get3A_130 = tpu.vector_load %arg5[%get3A_128, %get3A_129] {strides = array<i32>} : memref<625x64xf32, #tpu.memory_space<vmem>>, vector<1x16xf32>,
        %get3A_131 = vector.shape_cast %get3A_130 : vector<1x16xf32> to vector<16xf32>
        %abs3A_132 = math.absf %get3A_131 : vector<16xf32>
        %max3A_133 = arith.maximumf %max3A_125, %abs3A_132 : vector<16xf32>
        %get3A_134 = arith.index_cast %scan3A_127 : i32 to index
        %get3A_135 = arith.constant 16 : index
        %get3A_136 = tpu.vector_load %arg5[%get3A_134, %get3A_135] {strides = array<i32>} : memref<625x64xf32, #tpu.memory_space<vmem>>, vector<1x16xf32>,
        %get3A_137 = vector.shape_cast %get3A_136 : vector<1x16xf32> to vector<16xf32>
        %abs3A_138 = math.absf %get3A_137 : vector<16xf32>
        %max3A_139 = arith.maximumf %max3A_133, %abs3A_138 : vector<16xf32>
        %get3A_140 = arith.index_cast %scan3A_127 : i32 to index
        %get3A_141 = arith.constant 32 : index
        %get3A_142 = tpu.vector_load %arg5[%get3A_140, %get3A_141] {strides = array<i32>} : memref<625x64xf32, #tpu.memory_space<vmem>>, vector<1x16xf32>,
        %get3A_143 = vector.shape_cast %get3A_142 : vector<1x16xf32> to vector<16xf32>
        %abs3A_144 = math.absf %get3A_143 : vector<16xf32>
        %max3A_145 = arith.maximumf %max3A_139, %abs3A_144 : vector<16xf32>
        %get3A_146 = arith.index_cast %scan3A_127 : i32 to index
        %get3A_147 = arith.constant 48 : index
        %get3A_148 = tpu.vector_load %arg5[%get3A_146, %get3A_147] {strides = array<i32>} : memref<625x64xf32, #tpu.memory_space<vmem>>, vector<1x16xf32>,
        %get3A_149 = vector.shape_cast %get3A_148 : vector<1x16xf32> to vector<16xf32>
        %abs3A_150 = math.absf %get3A_149 : vector<16xf32>
        %max3A_151 = arith.maximumf %max3A_145, %abs3A_150 : vector<16xf32>
        %scan3A_152 = arith.constant 2 : i32
        %scan3A_153 = arith.addi %scan3A_100, %scan3A_152 : i32
        %get3A_154 = arith.index_cast %scan3A_153 : i32 to index
        %get3A_155 = arith.constant 0 : index
        %get3A_156 = tpu.vector_load %arg5[%get3A_154, %get3A_155] {strides = array<i32>} : memref<625x64xf32, #tpu.memory_space<vmem>>, vector<1x16xf32>,
        %get3A_157 = vector.shape_cast %get3A_156 : vector<1x16xf32> to vector<16xf32>
        %abs3A_158 = math.absf %get3A_157 : vector<16xf32>
        %max3A_159 = arith.maximumf %max3A_151, %abs3A_158 : vector<16xf32>
        %get3A_160 = arith.index_cast %scan3A_153 : i32 to index
        %get3A_161 = arith.constant 16 : index
        %get3A_162 = tpu.vector_load %arg5[%get3A_160, %get3A_161] {strides = array<i32>} : memref<625x64xf32, #tpu.memory_space<vmem>>, vector<1x16xf32>,
        %get3A_163 = vector.shape_cast %get3A_162 : vector<1x16xf32> to vector<16xf32>
        %abs3A_164 = math.absf %get3A_163 : vector<16xf32>
        %max3A_165 = arith.maximumf %max3A_159, %abs3A_164 : vector<16xf32>
        %get3A_166 = arith.index_cast %scan3A_153 : i32 to index
        %get3A_167 = arith.constant 32 : index
        %get3A_168 = tpu.vector_load %arg5[%get3A_166, %get3A_167] {strides = array<i32>} : memref<625x64xf32, #tpu.memory_space<vmem>>, vector<1x16xf32>,
        %get3A_169 = vector.shape_cast %get3A_168 : vector<1x16xf32> to vector<16xf32>
        %abs3A_170 = math.absf %get3A_169 : vector<16xf32>
        %max3A_171 = arith.maximumf %max3A_165, %abs3A_170 : vector<16xf32>
        %get3A_172 = arith.index_cast %scan3A_153 : i32 to index
        %get3A_173 = arith.constant 48 : index
        %get3A_174 = tpu.vector_load %arg5[%get3A_172, %get3A_173] {strides = array<i32>} : memref<625x64xf32, #tpu.memory_space<vmem>>, vector<1x16xf32>,
        %get3A_175 = vector.shape_cast %get3A_174 : vector<1x16xf32> to vector<16xf32>
        %abs3A_176 = math.absf %get3A_175 : vector<16xf32>
        %max3A_177 = arith.maximumf %max3A_171, %abs3A_176 : vector<16xf32>
        %scan3A_178 = arith.constant 3 : i32
        %scan3A_179 = arith.addi %scan3A_100, %scan3A_178 : i32
        %get3A_180 = arith.index_cast %scan3A_179 : i32 to index
        %get3A_181 = arith.constant 0 : index
        %get3A_182 = tpu.vector_load %arg5[%get3A_180, %get3A_181] {strides = array<i32>} : memref<625x64xf32, #tpu.memory_space<vmem>>, vector<1x16xf32>,
        %get3A_183 = vector.shape_cast %get3A_182 : vector<1x16xf32> to vector<16xf32>
        %abs3A_184 = math.absf %get3A_183 : vector<16xf32>
        %max3A_185 = arith.maximumf %max3A_177, %abs3A_184 : vector<16xf32>
        %get3A_186 = arith.index_cast %scan3A_179 : i32 to index
        %get3A_187 = arith.constant 16 : index
        %get3A_188 = tpu.vector_load %arg5[%get3A_186, %get3A_187] {strides = array<i32>} : memref<625x64xf32, #tpu.memory_space<vmem>>, vector<1x16xf32>,
        %get3A_189 = vector.shape_cast %get3A_188 : vector<1x16xf32> to vector<16xf32>
        %abs3A_190 = math.absf %get3A_189 : vector<16xf32>
        %max3A_191 = arith.maximumf %max3A_185, %abs3A_190 : vector<16xf32>
        %get3A_192 = arith.index_cast %scan3A_179 : i32 to index
        %get3A_193 = arith.constant 32 : index
        %get3A_194 = tpu.vector_load %arg5[%get3A_192, %get3A_193] {strides = array<i32>} : memref<625x64xf32, #tpu.memory_space<vmem>>, vector<1x16xf32>,
        %get3A_195 = vector.shape_cast %get3A_194 : vector<1x16xf32> to vector<16xf32>
        %abs3A_196 = math.absf %get3A_195 : vector<16xf32>
        %max3A_197 = arith.maximumf %max3A_191, %abs3A_196 : vector<16xf32>
        %get3A_198 = arith.index_cast %scan3A_179 : i32 to index
        %get3A_199 = arith.constant 48 : index
        %get3A_200 = tpu.vector_load %arg5[%get3A_198, %get3A_199] {strides = array<i32>} : memref<625x64xf32, #tpu.memory_space<vmem>>, vector<1x16xf32>,
        %get3A_201 = vector.shape_cast %get3A_200 : vector<1x16xf32> to vector<16xf32>
        %abs3A_202 = math.absf %get3A_201 : vector<16xf32>
        %max3A_203 = arith.maximumf %max3A_197, %abs3A_202 : vector<16xf32>
        scf.yield %max3A_203 : vector<16xf32>
      }
      %scan3A_68 = arith.constant 624 : i32
      %scan3A_69 = arith.addi %scan3A_63, %scan3A_68 : i32
      %get3A_70 = arith.index_cast %scan3A_69 : i32 to index
      %get3A_71 = arith.constant 0 : index
      %get3A_72 = tpu.vector_load %arg5[%get3A_70, %get3A_71] {strides = array<i32>} : memref<625x64xf32, #tpu.memory_space<vmem>>, vector<1x16xf32>,
      %get3A_73 = vector.shape_cast %get3A_72 : vector<1x16xf32> to vector<16xf32>
      %abs3A_74 = math.absf %get3A_73 : vector<16xf32>
      %max3A_75 = arith.maximumf %scan3A_67, %abs3A_74 : vector<16xf32>
      %get3A_76 = arith.index_cast %scan3A_69 : i32 to index
      %get3A_77 = arith.constant 16 : index
      %get3A_78 = tpu.vector_load %arg5[%get3A_76, %get3A_77] {strides = array<i32>} : memref<625x64xf32, #tpu.memory_space<vmem>>, vector<1x16xf32>,
      %get3A_79 = vector.shape_cast %get3A_78 : vector<1x16xf32> to vector<16xf32>
      %abs3A_80 = math.absf %get3A_79 : vector<16xf32>
      %max3A_81 = arith.maximumf %max3A_75, %abs3A_80 : vector<16xf32>
      %get3A_82 = arith.index_cast %scan3A_69 : i32 to index
      %get3A_83 = arith.constant 32 : index
      %get3A_84 = tpu.vector_load %arg5[%get3A_82, %get3A_83] {strides = array<i32>} : memref<625x64xf32, #tpu.memory_space<vmem>>, vector<1x16xf32>,
      %get3A_85 = vector.shape_cast %get3A_84 : vector<1x16xf32> to vector<16xf32>
      %abs3A_86 = math.absf %get3A_85 : vector<16xf32>
      %max3A_87 = arith.maximumf %max3A_81, %abs3A_86 : vector<16xf32>
      %get3A_88 = arith.index_cast %scan3A_69 : i32 to index
      %get3A_89 = arith.constant 48 : index
      %get3A_90 = tpu.vector_load %arg5[%get3A_88, %get3A_89] {strides = array<i32>} : memref<625x64xf32, #tpu.memory_space<vmem>>, vector<1x16xf32>,
      %get3A_91 = vector.shape_cast %get3A_90 : vector<1x16xf32> to vector<16xf32>
      %abs3A_92 = math.absf %get3A_91 : vector<16xf32>
      %max3A_93 = arith.maximumf %max3A_87, %abs3A_92 : vector<16xf32>
      %scan3A_94 = arith.constant 625 : i32
      %lt3A_95 = arith.constant 24 : i32
      %lt3A_96 = arith.cmpi slt, %scan3A_23, %lt3A_95 : i32
      %convert_element_type3A_97 = arith.extui %lt3A_96 : i1 to i32
      %cond3A_98 = arith.constant 0 : i32
      %cond3A_99 = arith.cmpi ne, %convert_element_type3A_97, %cond3A_98 : i32
      scf.if %cond3A_99 {
        %mul3A_100 = arith.constant 2 : i32
        %mul3A_101 = arith.muli %mul3A_100, %scan3A_23 : i32
        %add3A_102 = arith.constant 3 : i32
        %add3A_103 = arith.addi %mul3A_101, %add3A_102 : i32
        %mul3A_104 = arith.constant 625 : i32
        %mul3A_105 = arith.muli %add3A_103, %mul3A_104 : i32
        %add3A_106 = arith.addi %mul3A_2, %mul3A_105 : i32
        %dma_start3A_107 = arith.constant 0 : i32
        %dma_start3A_108 = tpu.memref_slice %arg2[%add3A_106, %dma_start3A_107] : memref<1000000x64xf32, #tpu.memory_space<hbm>> -> memref<625x64xf32, #tpu.memory_space<hbm>>
        %dma_start3A_109 = arith.constant 0 : i32
        %dma_start3A_110 = tpu.memref_slice %arg2[%add3A_106, %dma_start3A_109] : memref<1000000x64xf32, #tpu.memory_space<hbm>> -> memref<625x64xf32, #tpu.memory_space<hbm>>
        tpu.enqueue_dma source(%dma_start3A_110 : memref<625x64xf32, #tpu.memory_space<hbm>>) target(%arg5 : memref<625x64xf32, #tpu.memory_space<vmem>>) target_semaphore(%arg8 : memref<!tpu.dma_semaphore, #tpu.memory_space<semaphore_mem>>)
      } else {
      }
      scf.yield %max3A_93 : vector<16xf32>
    }
    %scan3A_19 = arith.constant 25 : i32
    %swap3A = arith.constant 0 : index
    %swap3A_20 = tpu.vector_load %arg6[%swap3A] {strides = array<i32>} : memref<16xf32, #tpu.memory_space<vmem>>, vector<16xf32>,
    %swap3A_21 = vector.shape_cast %swap3A_20 : vector<16xf32> to vector<16xf32>
    %swap3A_22 = vector.shape_cast %scan3A_18 : vector<16xf32> to vector<16xf32>
    tpu.vector_store %arg6[%swap3A], %swap3A_22 {strides = array<i32>} : memref<16xf32, #tpu.memory_space<vmem>>, vector<16xf32>,
    "tpu.region"() ({
      %run_scoped3A = tpu.sem_alloc : memref<!tpu.dma_semaphore, #tpu.memory_space<semaphore_mem>>
      %dma_start3A_23 = arith.constant 0 : i32
      %dma_start3A_24 = tpu.memref_slice %arg3[%add3A, %dma_start3A_23] : memref<32x16xf32, #tpu.memory_space<hbm>> -> memref<1x16xf32, #tpu.memory_space<hbm>>
      %dma_start3A_25 = tpu.memref_squeeze %dma_start3A_24 : memref<1x16xf32, #tpu.memory_space<hbm>> -> memref<16xf32, #tpu.memory_space<hbm>>
      %dma_start3A_26 = arith.constant 0 : i32
      %dma_start3A_27 = tpu.memref_slice %arg3[%add3A, %dma_start3A_26] : memref<32x16xf32, #tpu.memory_space<hbm>> -> memref<1x16xf32, #tpu.memory_space<hbm>>
      %dma_start3A_28 = tpu.memref_squeeze %dma_start3A_27 : memref<1x16xf32, #tpu.memory_space<hbm>> -> memref<16xf32, #tpu.memory_space<hbm>>
      tpu.enqueue_dma source(%arg6 : memref<16xf32, #tpu.memory_space<vmem>>) target(%dma_start3A_28 : memref<16xf32, #tpu.memory_space<hbm>>) target_semaphore(%run_scoped3A : memref<!tpu.dma_semaphore, #tpu.memory_space<semaphore_mem>>)
      %dma_wait3A = arith.constant 0 : i32
      %dma_wait3A_29 = tpu.memref_slice %arg3[%add3A, %dma_wait3A] : memref<32x16xf32, #tpu.memory_space<hbm>> -> memref<1x16xf32, #tpu.memory_space<hbm>>
      %dma_wait3A_30 = tpu.memref_squeeze %dma_wait3A_29 : memref<1x16xf32, #tpu.memory_space<hbm>> -> memref<16xf32, #tpu.memory_space<hbm>>
      %dma_wait3A_31 = arith.constant 0 : i32
      %dma_wait3A_32 = tpu.memref_slice %arg3[%add3A, %dma_wait3A_31] : memref<32x16xf32, #tpu.memory_space<hbm>> -> memref<1x16xf32, #tpu.memory_space<hbm>>
      %dma_wait3A_33 = tpu.memref_squeeze %dma_wait3A_32 : memref<1x16xf32, #tpu.memory_space<hbm>> -> memref<16xf32, #tpu.memory_space<hbm>>
      tpu.wait_dma2 semaphore(%run_scoped3A : memref<!tpu.dma_semaphore, #tpu.memory_space<semaphore_mem>>) src(%arg6 : memref<16xf32, #tpu.memory_space<vmem>>) dst(%dma_wait3A_33 : memref<16xf32, #tpu.memory_space<hbm>>)
      tpu.yield
    }) : () -> ()
    return
  }
}

#map = affine_map<(d0, d1) -> (0, 0, 0)>
#map1 = affine_map<(d0, d1) -> (0, 0)>
#map2 = affine_map<(d0, d1) -> (0)>
module attributes {stable_mosaic.version = 14 : i64} {
  func.func @_gather_body(%arg0: i32, %arg1: i32, %arg2: memref<32x50x128xi32, #tpu.memory_space<hbm>>, %arg3: memref<1000000x64xf32, #tpu.memory_space<hbm>>, %arg4: memref<16xf32, #tpu.memory_space<hbm>>, %arg5: memref<204800x64xf32, #tpu.memory_space<hbm>>, %arg6: memref<50x128xi32, #tpu.memory_space<vmem>>, %arg7: memref<16xf32, #tpu.memory_space<vmem>>, %arg8: memref<128x64xf32, #tpu.memory_space<vmem>>, %arg9: memref<128x64xf32, #tpu.memory_space<vmem>>, %arg10: memref<128x64xf32, #tpu.memory_space<vmem>>, %arg11: memref<128x64xf32, #tpu.memory_space<vmem>>, %arg12: memref<!tpu.dma_semaphore, #tpu.memory_space<semaphore_mem>>, %arg13: memref<!tpu.dma_semaphore, #tpu.memory_space<semaphore_mem>>, %arg14: memref<!tpu.dma_semaphore, #tpu.memory_space<semaphore_mem>>, %arg15: memref<!tpu.dma_semaphore, #tpu.memory_space<semaphore_mem>>) attributes {dimension_semantics = [#tpu.dimension_semantics<core_parallel>, #tpu.dimension_semantics<subcore_parallel>], iteration_bounds = array<i64: 2, 16>, scalar_prefetch = 0 : i64, scratch_operands = 10 : i64, tpu.core_type = #tpu.core_type<sc_vector_subcore>, window_params = [{transform_indices = #map}, {transform_indices = #map1}, {transform_indices = #map2}, {transform_indices = #map1}]} {
    %mul3A = arith.constant 2 : i32
    %mul3A_0 = arith.muli %arg1, %mul3A : i32
    %add3A = arith.addi %mul3A_0, %arg0 : i32
    %mul3A_1 = arith.constant 6400 : i32
    %mul3A_2 = arith.muli %add3A, %mul3A_1 : i32
    "tpu.region"() ({
      %run_scoped3A = tpu.sem_alloc : memref<!tpu.dma_semaphore, #tpu.memory_space<semaphore_mem>>
      %dma_start3A_39 = arith.constant 0 : i32
      %dma_start3A_40 = arith.constant 0 : i32
      %dma_start3A_41 = tpu.memref_slice %arg2[%add3A, %dma_start3A_39, %dma_start3A_40] : memref<32x50x128xi32, #tpu.memory_space<hbm>> -> memref<1x50x128xi32, #tpu.memory_space<hbm>>
      %dma_start3A_42 = tpu.memref_squeeze %dma_start3A_41 : memref<1x50x128xi32, #tpu.memory_space<hbm>> -> memref<50x128xi32, #tpu.memory_space<hbm>>
      %dma_start3A_43 = arith.constant 0 : i32
      %dma_start3A_44 = arith.constant 0 : i32
      %dma_start3A_45 = tpu.memref_slice %arg2[%add3A, %dma_start3A_43, %dma_start3A_44] : memref<32x50x128xi32, #tpu.memory_space<hbm>> -> memref<1x50x128xi32, #tpu.memory_space<hbm>>
      %dma_start3A_46 = tpu.memref_squeeze %dma_start3A_45 : memref<1x50x128xi32, #tpu.memory_space<hbm>> -> memref<50x128xi32, #tpu.memory_space<hbm>>
      tpu.enqueue_dma source(%dma_start3A_46 : memref<50x128xi32, #tpu.memory_space<hbm>>) target(%arg6 : memref<50x128xi32, #tpu.memory_space<vmem>>) target_semaphore(%run_scoped3A : memref<!tpu.dma_semaphore, #tpu.memory_space<semaphore_mem>>)
      %dma_wait3A_47 = arith.constant 0 : i32
      %dma_wait3A_48 = arith.constant 0 : i32
      %dma_wait3A_49 = tpu.memref_slice %arg2[%add3A, %dma_wait3A_47, %dma_wait3A_48] : memref<32x50x128xi32, #tpu.memory_space<hbm>> -> memref<1x50x128xi32, #tpu.memory_space<hbm>>
      %dma_wait3A_50 = tpu.memref_squeeze %dma_wait3A_49 : memref<1x50x128xi32, #tpu.memory_space<hbm>> -> memref<50x128xi32, #tpu.memory_space<hbm>>
      %dma_wait3A_51 = arith.constant 0 : i32
      %dma_wait3A_52 = arith.constant 0 : i32
      %dma_wait3A_53 = tpu.memref_slice %arg2[%add3A, %dma_wait3A_51, %dma_wait3A_52] : memref<32x50x128xi32, #tpu.memory_space<hbm>> -> memref<1x50x128xi32, #tpu.memory_space<hbm>>
      %dma_wait3A_54 = tpu.memref_squeeze %dma_wait3A_53 : memref<1x50x128xi32, #tpu.memory_space<hbm>> -> memref<50x128xi32, #tpu.memory_space<hbm>>
      tpu.wait_dma2 semaphore(%run_scoped3A : memref<!tpu.dma_semaphore, #tpu.memory_space<semaphore_mem>>) src(%dma_wait3A_54 : memref<50x128xi32, #tpu.memory_space<hbm>>) dst(%arg6 : memref<50x128xi32, #tpu.memory_space<vmem>>)
      tpu.yield
    }) : () -> ()
    "tpu.region"() ({
      %run_scoped3A = tpu.sem_alloc : memref<!tpu.dma_semaphore, #tpu.memory_space<semaphore_mem>>
      tpu.enqueue_dma source(%arg4 : memref<16xf32, #tpu.memory_space<hbm>>) target(%arg7 : memref<16xf32, #tpu.memory_space<vmem>>) target_semaphore(%run_scoped3A : memref<!tpu.dma_semaphore, #tpu.memory_space<semaphore_mem>>)
      tpu.wait_dma2 semaphore(%run_scoped3A : memref<!tpu.dma_semaphore, #tpu.memory_space<semaphore_mem>>) src(%arg4 : memref<16xf32, #tpu.memory_space<hbm>>) dst(%arg7 : memref<16xf32, #tpu.memory_space<vmem>>)
      tpu.yield
    }) : () -> ()
    %get3A = arith.constant 0 : index
    %get3A_3 = tpu.vector_load %arg7[%get3A] {strides = array<i32>} : memref<16xf32, #tpu.memory_space<vmem>>, vector<16xf32>,
    %get3A_4 = vector.shape_cast %get3A_3 : vector<16xf32> to vector<16xf32>
    %neg3A = arith.constant 0.000000e+00 : f32
    %neg3A_5 = vector.broadcast %neg3A : f32 to vector<16xf32>
    %neg3A_6 = arith.subf %neg3A_5, %get3A_4 : vector<16xf32>
    %mul3A_7 = arith.constant 5.96046448E-8 : f32
    %mul3A_8 = vector.broadcast %mul3A_7 : f32 to vector<16xf32>
    %mul3A_9 = arith.mulf %get3A_4, %mul3A_8 : vector<16xf32>
    %dma_start3A = arith.constant 0 : i32
    %dma_start3A_10 = arith.constant 0 : i32
    %dma_start3A_11 = tpu.memref_slice %arg6[%dma_start3A, %dma_start3A_10] : memref<50x128xi32, #tpu.memory_space<vmem>> -> memref<1x128xi32, #tpu.memory_space<vmem>>
    %dma_start3A_12 = tpu.memref_squeeze %dma_start3A_11 : memref<1x128xi32, #tpu.memory_space<vmem>> -> memref<128xi32, #tpu.memory_space<vmem>>
    %dma_start3A_13 = arith.constant 0 : i32
    %dma_start3A_14 = arith.constant 0 : i32
    %dma_start3A_15 = tpu.memref_slice %arg3[%dma_start3A_13, %dma_start3A_14] : memref<1000000x64xf32, #tpu.memory_space<hbm>> -> memref<1000000x64xf32, #tpu.memory_space<hbm>>
    tpu.enqueue_indirect_dma source(%dma_start3A_15 : memref<1000000x64xf32, #tpu.memory_space<hbm>>) target(%arg8 : memref<128x64xf32, #tpu.memory_space<vmem>>) offsets(%dma_start3A_12 : memref<128xi32, #tpu.memory_space<vmem>>) semaphore(%arg12 : memref<!tpu.dma_semaphore, #tpu.memory_space<semaphore_mem>>)
    %dma_start3A_16 = arith.constant 1 : i32
    %dma_start3A_17 = arith.constant 0 : i32
    %dma_start3A_18 = tpu.memref_slice %arg6[%dma_start3A_16, %dma_start3A_17] : memref<50x128xi32, #tpu.memory_space<vmem>> -> memref<1x128xi32, #tpu.memory_space<vmem>>
    %dma_start3A_19 = tpu.memref_squeeze %dma_start3A_18 : memref<1x128xi32, #tpu.memory_space<vmem>> -> memref<128xi32, #tpu.memory_space<vmem>>
    %dma_start3A_20 = arith.constant 0 : i32
    %dma_start3A_21 = arith.constant 0 : i32
    %dma_start3A_22 = tpu.memref_slice %arg3[%dma_start3A_20, %dma_start3A_21] : memref<1000000x64xf32, #tpu.memory_space<hbm>> -> memref<1000000x64xf32, #tpu.memory_space<hbm>>
    tpu.enqueue_indirect_dma source(%dma_start3A_22 : memref<1000000x64xf32, #tpu.memory_space<hbm>>) target(%arg9 : memref<128x64xf32, #tpu.memory_space<vmem>>) offsets(%dma_start3A_19 : memref<128xi32, #tpu.memory_space<vmem>>) semaphore(%arg13 : memref<!tpu.dma_semaphore, #tpu.memory_space<semaphore_mem>>)
    %scan3A = arith.constant 0 : i32
    %scan3A_23 = arith.constant 0 : i32
    %scan3A_24 = arith.constant 25 : i32
    %scan3A_25 = arith.addi %scan3A_23, %scan3A_24 : i32
    %scan3A_26 = arith.constant 1 : i32
    scf.for %scan3A_39 = %scan3A_23 to %scan3A_25 step %scan3A_26  : i32 {
      %mul3A_40 = arith.constant 2 : i32
      %mul3A_41 = arith.muli %mul3A_40, %scan3A_39 : i32
      %dma_wait3A_42 = arith.constant 0 : i32
      %dma_wait3A_43 = tpu.memref_slice %arg6[%mul3A_41, %dma_wait3A_42] : memref<50x128xi32, #tpu.memory_space<vmem>> -> memref<1x128xi32, #tpu.memory_space<vmem>>
      %dma_wait3A_44 = tpu.memref_squeeze %dma_wait3A_43 : memref<1x128xi32, #tpu.memory_space<vmem>> -> memref<128xi32, #tpu.memory_space<vmem>>
      %dma_wait3A_45 = arith.constant 0 : i32
      %dma_wait3A_46 = arith.constant 0 : i32
      %dma_wait3A_47 = tpu.memref_slice %arg3[%dma_wait3A_45, %dma_wait3A_46] : memref<1000000x64xf32, #tpu.memory_space<hbm>> -> memref<1000000x64xf32, #tpu.memory_space<hbm>>
      tpu.wait_indirect_dma semaphore(%arg12 : memref<!tpu.dma_semaphore, #tpu.memory_space<semaphore_mem>>) src(%dma_wait3A_47 : memref<1000000x64xf32, #tpu.memory_space<hbm>>) dst(%arg8 : memref<128x64xf32, #tpu.memory_space<vmem>>)
      %gt3A = arith.constant 0 : i32
      %gt3A_48 = arith.cmpi sgt, %scan3A_39, %gt3A : i32
      %convert_element_type3A = arith.extui %gt3A_48 : i1 to i32
      %cond3A = arith.constant 0 : i32
      %cond3A_49 = arith.cmpi ne, %convert_element_type3A, %cond3A : i32
      scf.if %cond3A_49 {
        %add3A_106 = arith.constant 0 : i32
        %add3A_107 = arith.addi %mul3A_2, %add3A_106 : i32
        %dma_wait3A_108 = arith.constant 0 : i32
        %dma_wait3A_109 = tpu.memref_slice %arg5[%add3A_107, %dma_wait3A_108] : memref<204800x64xf32, #tpu.memory_space<hbm>> -> memref<128x64xf32, #tpu.memory_space<hbm>>
        %dma_wait3A_110 = arith.constant 0 : i32
        %dma_wait3A_111 = tpu.memref_slice %arg5[%add3A_107, %dma_wait3A_110] : memref<204800x64xf32, #tpu.memory_space<hbm>> -> memref<128x64xf32, #tpu.memory_space<hbm>>
        tpu.wait_dma2 semaphore(%arg14 : memref<!tpu.dma_semaphore, #tpu.memory_space<semaphore_mem>>) src(%arg10 : memref<128x64xf32, #tpu.memory_space<vmem>>) dst(%dma_wait3A_111 : memref<128x64xf32, #tpu.memory_space<hbm>>)
      } else {
      }
      %scan3A_50 = arith.constant 0 : i32
      %scan3A_51 = arith.constant 0 : i32
      %scan3A_52 = arith.constant 128 : i32
      %scan3A_53 = arith.addi %scan3A_51, %scan3A_52 : i32
      %scan3A_54 = arith.constant 4 : i32
      scf.for %scan3A_106 = %scan3A_51 to %scan3A_53 step %scan3A_54  : i32 {
        %get3A_107 = arith.index_cast %scan3A_106 : i32 to index
        %get3A_108 = arith.constant 0 : index
        %get3A_109 = tpu.vector_load %arg8[%get3A_107, %get3A_108] {strides = array<i32>} : memref<128x64xf32, #tpu.memory_space<vmem>>, vector<1x16xf32>,
        %get3A_110 = vector.shape_cast %get3A_109 : vector<1x16xf32> to vector<16xf32>
        %gt3A_111 = arith.cmpf ogt, %get3A_110, %mul3A_9 : vector<16xf32>
        %select_n3A = arith.select %gt3A_111, %get3A_4, %neg3A_6 : vector<16xi1>, vector<16xf32>
        %swap3A = arith.index_cast %scan3A_106 : i32 to index
        %swap3A_112 = arith.constant 0 : index
        %swap3A_113 = tpu.vector_load %arg10[%swap3A, %swap3A_112] {strides = array<i32>} : memref<128x64xf32, #tpu.memory_space<vmem>>, vector<1x16xf32>,
        %swap3A_114 = vector.shape_cast %swap3A_113 : vector<1x16xf32> to vector<16xf32>
        %swap3A_115 = vector.shape_cast %select_n3A : vector<16xf32> to vector<1x16xf32>
        tpu.vector_store %arg10[%swap3A, %swap3A_112], %swap3A_115 {strides = array<i32>} : memref<128x64xf32, #tpu.memory_space<vmem>>, vector<1x16xf32>,
        %get3A_116 = arith.index_cast %scan3A_106 : i32 to index
        %get3A_117 = arith.constant 16 : index
        %get3A_118 = tpu.vector_load %arg8[%get3A_116, %get3A_117] {strides = array<i32>} : memref<128x64xf32, #tpu.memory_space<vmem>>, vector<1x16xf32>,
        %get3A_119 = vector.shape_cast %get3A_118 : vector<1x16xf32> to vector<16xf32>
        %gt3A_120 = arith.cmpf ogt, %get3A_119, %mul3A_9 : vector<16xf32>
        %select_n3A_121 = arith.select %gt3A_120, %get3A_4, %neg3A_6 : vector<16xi1>, vector<16xf32>
        %swap3A_122 = arith.index_cast %scan3A_106 : i32 to index
        %swap3A_123 = arith.constant 16 : index
        %swap3A_124 = tpu.vector_load %arg10[%swap3A_122, %swap3A_123] {strides = array<i32>} : memref<128x64xf32, #tpu.memory_space<vmem>>, vector<1x16xf32>,
        %swap3A_125 = vector.shape_cast %swap3A_124 : vector<1x16xf32> to vector<16xf32>
        %swap3A_126 = vector.shape_cast %select_n3A_121 : vector<16xf32> to vector<1x16xf32>
        tpu.vector_store %arg10[%swap3A_122, %swap3A_123], %swap3A_126 {strides = array<i32>} : memref<128x64xf32, #tpu.memory_space<vmem>>, vector<1x16xf32>,
        %get3A_127 = arith.index_cast %scan3A_106 : i32 to index
        %get3A_128 = arith.constant 32 : index
        %get3A_129 = tpu.vector_load %arg8[%get3A_127, %get3A_128] {strides = array<i32>} : memref<128x64xf32, #tpu.memory_space<vmem>>, vector<1x16xf32>,
        %get3A_130 = vector.shape_cast %get3A_129 : vector<1x16xf32> to vector<16xf32>
        %gt3A_131 = arith.cmpf ogt, %get3A_130, %mul3A_9 : vector<16xf32>
        %select_n3A_132 = arith.select %gt3A_131, %get3A_4, %neg3A_6 : vector<16xi1>, vector<16xf32>
        %swap3A_133 = arith.index_cast %scan3A_106 : i32 to index
        %swap3A_134 = arith.constant 32 : index
        %swap3A_135 = tpu.vector_load %arg10[%swap3A_133, %swap3A_134] {strides = array<i32>} : memref<128x64xf32, #tpu.memory_space<vmem>>, vector<1x16xf32>,
        %swap3A_136 = vector.shape_cast %swap3A_135 : vector<1x16xf32> to vector<16xf32>
        %swap3A_137 = vector.shape_cast %select_n3A_132 : vector<16xf32> to vector<1x16xf32>
        tpu.vector_store %arg10[%swap3A_133, %swap3A_134], %swap3A_137 {strides = array<i32>} : memref<128x64xf32, #tpu.memory_space<vmem>>, vector<1x16xf32>,
        %get3A_138 = arith.index_cast %scan3A_106 : i32 to index
        %get3A_139 = arith.constant 48 : index
        %get3A_140 = tpu.vector_load %arg8[%get3A_138, %get3A_139] {strides = array<i32>} : memref<128x64xf32, #tpu.memory_space<vmem>>, vector<1x16xf32>,
        %get3A_141 = vector.shape_cast %get3A_140 : vector<1x16xf32> to vector<16xf32>
        %gt3A_142 = arith.cmpf ogt, %get3A_141, %mul3A_9 : vector<16xf32>
        %select_n3A_143 = arith.select %gt3A_142, %get3A_4, %neg3A_6 : vector<16xi1>, vector<16xf32>
        %swap3A_144 = arith.index_cast %scan3A_106 : i32 to index
        %swap3A_145 = arith.constant 48 : index
        %swap3A_146 = tpu.vector_load %arg10[%swap3A_144, %swap3A_145] {strides = array<i32>} : memref<128x64xf32, #tpu.memory_space<vmem>>, vector<1x16xf32>,
        %swap3A_147 = vector.shape_cast %swap3A_146 : vector<1x16xf32> to vector<16xf32>
        %swap3A_148 = vector.shape_cast %select_n3A_143 : vector<16xf32> to vector<1x16xf32>
        tpu.vector_store %arg10[%swap3A_144, %swap3A_145], %swap3A_148 {strides = array<i32>} : memref<128x64xf32, #tpu.memory_space<vmem>>, vector<1x16xf32>,
        %scan3A_149 = arith.constant 1 : i32
        %scan3A_150 = arith.addi %scan3A_106, %scan3A_149 : i32
        %get3A_151 = arith.index_cast %scan3A_150 : i32 to index
        %get3A_152 = arith.constant 0 : index
        %get3A_153 = tpu.vector_load %arg8[%get3A_151, %get3A_152] {strides = array<i32>} : memref<128x64xf32, #tpu.memory_space<vmem>>, vector<1x16xf32>,
        %get3A_154 = vector.shape_cast %get3A_153 : vector<1x16xf32> to vector<16xf32>
        %gt3A_155 = arith.cmpf ogt, %get3A_154, %mul3A_9 : vector<16xf32>
        %select_n3A_156 = arith.select %gt3A_155, %get3A_4, %neg3A_6 : vector<16xi1>, vector<16xf32>
        %swap3A_157 = arith.index_cast %scan3A_150 : i32 to index
        %swap3A_158 = arith.constant 0 : index
        %swap3A_159 = tpu.vector_load %arg10[%swap3A_157, %swap3A_158] {strides = array<i32>} : memref<128x64xf32, #tpu.memory_space<vmem>>, vector<1x16xf32>,
        %swap3A_160 = vector.shape_cast %swap3A_159 : vector<1x16xf32> to vector<16xf32>
        %swap3A_161 = vector.shape_cast %select_n3A_156 : vector<16xf32> to vector<1x16xf32>
        tpu.vector_store %arg10[%swap3A_157, %swap3A_158], %swap3A_161 {strides = array<i32>} : memref<128x64xf32, #tpu.memory_space<vmem>>, vector<1x16xf32>,
        %get3A_162 = arith.index_cast %scan3A_150 : i32 to index
        %get3A_163 = arith.constant 16 : index
        %get3A_164 = tpu.vector_load %arg8[%get3A_162, %get3A_163] {strides = array<i32>} : memref<128x64xf32, #tpu.memory_space<vmem>>, vector<1x16xf32>,
        %get3A_165 = vector.shape_cast %get3A_164 : vector<1x16xf32> to vector<16xf32>
        %gt3A_166 = arith.cmpf ogt, %get3A_165, %mul3A_9 : vector<16xf32>
        %select_n3A_167 = arith.select %gt3A_166, %get3A_4, %neg3A_6 : vector<16xi1>, vector<16xf32>
        %swap3A_168 = arith.index_cast %scan3A_150 : i32 to index
        %swap3A_169 = arith.constant 16 : index
        %swap3A_170 = tpu.vector_load %arg10[%swap3A_168, %swap3A_169] {strides = array<i32>} : memref<128x64xf32, #tpu.memory_space<vmem>>, vector<1x16xf32>,
        %swap3A_171 = vector.shape_cast %swap3A_170 : vector<1x16xf32> to vector<16xf32>
        %swap3A_172 = vector.shape_cast %select_n3A_167 : vector<16xf32> to vector<1x16xf32>
        tpu.vector_store %arg10[%swap3A_168, %swap3A_169], %swap3A_172 {strides = array<i32>} : memref<128x64xf32, #tpu.memory_space<vmem>>, vector<1x16xf32>,
        %get3A_173 = arith.index_cast %scan3A_150 : i32 to index
        %get3A_174 = arith.constant 32 : index
        %get3A_175 = tpu.vector_load %arg8[%get3A_173, %get3A_174] {strides = array<i32>} : memref<128x64xf32, #tpu.memory_space<vmem>>, vector<1x16xf32>,
        %get3A_176 = vector.shape_cast %get3A_175 : vector<1x16xf32> to vector<16xf32>
        %gt3A_177 = arith.cmpf ogt, %get3A_176, %mul3A_9 : vector<16xf32>
        %select_n3A_178 = arith.select %gt3A_177, %get3A_4, %neg3A_6 : vector<16xi1>, vector<16xf32>
        %swap3A_179 = arith.index_cast %scan3A_150 : i32 to index
        %swap3A_180 = arith.constant 32 : index
        %swap3A_181 = tpu.vector_load %arg10[%swap3A_179, %swap3A_180] {strides = array<i32>} : memref<128x64xf32, #tpu.memory_space<vmem>>, vector<1x16xf32>,
        %swap3A_182 = vector.shape_cast %swap3A_181 : vector<1x16xf32> to vector<16xf32>
        %swap3A_183 = vector.shape_cast %select_n3A_178 : vector<16xf32> to vector<1x16xf32>
        tpu.vector_store %arg10[%swap3A_179, %swap3A_180], %swap3A_183 {strides = array<i32>} : memref<128x64xf32, #tpu.memory_space<vmem>>, vector<1x16xf32>,
        %get3A_184 = arith.index_cast %scan3A_150 : i32 to index
        %get3A_185 = arith.constant 48 : index
        %get3A_186 = tpu.vector_load %arg8[%get3A_184, %get3A_185] {strides = array<i32>} : memref<128x64xf32, #tpu.memory_space<vmem>>, vector<1x16xf32>,
        %get3A_187 = vector.shape_cast %get3A_186 : vector<1x16xf32> to vector<16xf32>
        %gt3A_188 = arith.cmpf ogt, %get3A_187, %mul3A_9 : vector<16xf32>
        %select_n3A_189 = arith.select %gt3A_188, %get3A_4, %neg3A_6 : vector<16xi1>, vector<16xf32>
        %swap3A_190 = arith.index_cast %scan3A_150 : i32 to index
        %swap3A_191 = arith.constant 48 : index
        %swap3A_192 = tpu.vector_load %arg10[%swap3A_190, %swap3A_191] {strides = array<i32>} : memref<128x64xf32, #tpu.memory_space<vmem>>, vector<1x16xf32>,
        %swap3A_193 = vector.shape_cast %swap3A_192 : vector<1x16xf32> to vector<16xf32>
        %swap3A_194 = vector.shape_cast %select_n3A_189 : vector<16xf32> to vector<1x16xf32>
        tpu.vector_store %arg10[%swap3A_190, %swap3A_191], %swap3A_194 {strides = array<i32>} : memref<128x64xf32, #tpu.memory_space<vmem>>, vector<1x16xf32>,
        %scan3A_195 = arith.constant 2 : i32
        %scan3A_196 = arith.addi %scan3A_106, %scan3A_195 : i32
        %get3A_197 = arith.index_cast %scan3A_196 : i32 to index
        %get3A_198 = arith.constant 0 : index
        %get3A_199 = tpu.vector_load %arg8[%get3A_197, %get3A_198] {strides = array<i32>} : memref<128x64xf32, #tpu.memory_space<vmem>>, vector<1x16xf32>,
        %get3A_200 = vector.shape_cast %get3A_199 : vector<1x16xf32> to vector<16xf32>
        %gt3A_201 = arith.cmpf ogt, %get3A_200, %mul3A_9 : vector<16xf32>
        %select_n3A_202 = arith.select %gt3A_201, %get3A_4, %neg3A_6 : vector<16xi1>, vector<16xf32>
        %swap3A_203 = arith.index_cast %scan3A_196 : i32 to index
        %swap3A_204 = arith.constant 0 : index
        %swap3A_205 = tpu.vector_load %arg10[%swap3A_203, %swap3A_204] {strides = array<i32>} : memref<128x64xf32, #tpu.memory_space<vmem>>, vector<1x16xf32>,
        %swap3A_206 = vector.shape_cast %swap3A_205 : vector<1x16xf32> to vector<16xf32>
        %swap3A_207 = vector.shape_cast %select_n3A_202 : vector<16xf32> to vector<1x16xf32>
        tpu.vector_store %arg10[%swap3A_203, %swap3A_204], %swap3A_207 {strides = array<i32>} : memref<128x64xf32, #tpu.memory_space<vmem>>, vector<1x16xf32>,
        %get3A_208 = arith.index_cast %scan3A_196 : i32 to index
        %get3A_209 = arith.constant 16 : index
        %get3A_210 = tpu.vector_load %arg8[%get3A_208, %get3A_209] {strides = array<i32>} : memref<128x64xf32, #tpu.memory_space<vmem>>, vector<1x16xf32>,
        %get3A_211 = vector.shape_cast %get3A_210 : vector<1x16xf32> to vector<16xf32>
        %gt3A_212 = arith.cmpf ogt, %get3A_211, %mul3A_9 : vector<16xf32>
        %select_n3A_213 = arith.select %gt3A_212, %get3A_4, %neg3A_6 : vector<16xi1>, vector<16xf32>
        %swap3A_214 = arith.index_cast %scan3A_196 : i32 to index
        %swap3A_215 = arith.constant 16 : index
        %swap3A_216 = tpu.vector_load %arg10[%swap3A_214, %swap3A_215] {strides = array<i32>} : memref<128x64xf32, #tpu.memory_space<vmem>>, vector<1x16xf32>,
        %swap3A_217 = vector.shape_cast %swap3A_216 : vector<1x16xf32> to vector<16xf32>
        %swap3A_218 = vector.shape_cast %select_n3A_213 : vector<16xf32> to vector<1x16xf32>
        tpu.vector_store %arg10[%swap3A_214, %swap3A_215], %swap3A_218 {strides = array<i32>} : memref<128x64xf32, #tpu.memory_space<vmem>>, vector<1x16xf32>,
        %get3A_219 = arith.index_cast %scan3A_196 : i32 to index
        %get3A_220 = arith.constant 32 : index
        %get3A_221 = tpu.vector_load %arg8[%get3A_219, %get3A_220] {strides = array<i32>} : memref<128x64xf32, #tpu.memory_space<vmem>>, vector<1x16xf32>,
        %get3A_222 = vector.shape_cast %get3A_221 : vector<1x16xf32> to vector<16xf32>
        %gt3A_223 = arith.cmpf ogt, %get3A_222, %mul3A_9 : vector<16xf32>
        %select_n3A_224 = arith.select %gt3A_223, %get3A_4, %neg3A_6 : vector<16xi1>, vector<16xf32>
        %swap3A_225 = arith.index_cast %scan3A_196 : i32 to index
        %swap3A_226 = arith.constant 32 : index
        %swap3A_227 = tpu.vector_load %arg10[%swap3A_225, %swap3A_226] {strides = array<i32>} : memref<128x64xf32, #tpu.memory_space<vmem>>, vector<1x16xf32>,
        %swap3A_228 = vector.shape_cast %swap3A_227 : vector<1x16xf32> to vector<16xf32>
        %swap3A_229 = vector.shape_cast %select_n3A_224 : vector<16xf32> to vector<1x16xf32>
        tpu.vector_store %arg10[%swap3A_225, %swap3A_226], %swap3A_229 {strides = array<i32>} : memref<128x64xf32, #tpu.memory_space<vmem>>, vector<1x16xf32>,
        %get3A_230 = arith.index_cast %scan3A_196 : i32 to index
        %get3A_231 = arith.constant 48 : index
        %get3A_232 = tpu.vector_load %arg8[%get3A_230, %get3A_231] {strides = array<i32>} : memref<128x64xf32, #tpu.memory_space<vmem>>, vector<1x16xf32>,
        %get3A_233 = vector.shape_cast %get3A_232 : vector<1x16xf32> to vector<16xf32>
        %gt3A_234 = arith.cmpf ogt, %get3A_233, %mul3A_9 : vector<16xf32>
        %select_n3A_235 = arith.select %gt3A_234, %get3A_4, %neg3A_6 : vector<16xi1>, vector<16xf32>
        %swap3A_236 = arith.index_cast %scan3A_196 : i32 to index
        %swap3A_237 = arith.constant 48 : index
        %swap3A_238 = tpu.vector_load %arg10[%swap3A_236, %swap3A_237] {strides = array<i32>} : memref<128x64xf32, #tpu.memory_space<vmem>>, vector<1x16xf32>,
        %swap3A_239 = vector.shape_cast %swap3A_238 : vector<1x16xf32> to vector<16xf32>
        %swap3A_240 = vector.shape_cast %select_n3A_235 : vector<16xf32> to vector<1x16xf32>
        tpu.vector_store %arg10[%swap3A_236, %swap3A_237], %swap3A_240 {strides = array<i32>} : memref<128x64xf32, #tpu.memory_space<vmem>>, vector<1x16xf32>,
        %scan3A_241 = arith.constant 3 : i32
        %scan3A_242 = arith.addi %scan3A_106, %scan3A_241 : i32
        %get3A_243 = arith.index_cast %scan3A_242 : i32 to index
        %get3A_244 = arith.constant 0 : index
        %get3A_245 = tpu.vector_load %arg8[%get3A_243, %get3A_244] {strides = array<i32>} : memref<128x64xf32, #tpu.memory_space<vmem>>, vector<1x16xf32>,
        %get3A_246 = vector.shape_cast %get3A_245 : vector<1x16xf32> to vector<16xf32>
        %gt3A_247 = arith.cmpf ogt, %get3A_246, %mul3A_9 : vector<16xf32>
        %select_n3A_248 = arith.select %gt3A_247, %get3A_4, %neg3A_6 : vector<16xi1>, vector<16xf32>
        %swap3A_249 = arith.index_cast %scan3A_242 : i32 to index
        %swap3A_250 = arith.constant 0 : index
        %swap3A_251 = tpu.vector_load %arg10[%swap3A_249, %swap3A_250] {strides = array<i32>} : memref<128x64xf32, #tpu.memory_space<vmem>>, vector<1x16xf32>,
        %swap3A_252 = vector.shape_cast %swap3A_251 : vector<1x16xf32> to vector<16xf32>
        %swap3A_253 = vector.shape_cast %select_n3A_248 : vector<16xf32> to vector<1x16xf32>
        tpu.vector_store %arg10[%swap3A_249, %swap3A_250], %swap3A_253 {strides = array<i32>} : memref<128x64xf32, #tpu.memory_space<vmem>>, vector<1x16xf32>,
        %get3A_254 = arith.index_cast %scan3A_242 : i32 to index
        %get3A_255 = arith.constant 16 : index
        %get3A_256 = tpu.vector_load %arg8[%get3A_254, %get3A_255] {strides = array<i32>} : memref<128x64xf32, #tpu.memory_space<vmem>>, vector<1x16xf32>,
        %get3A_257 = vector.shape_cast %get3A_256 : vector<1x16xf32> to vector<16xf32>
        %gt3A_258 = arith.cmpf ogt, %get3A_257, %mul3A_9 : vector<16xf32>
        %select_n3A_259 = arith.select %gt3A_258, %get3A_4, %neg3A_6 : vector<16xi1>, vector<16xf32>
        %swap3A_260 = arith.index_cast %scan3A_242 : i32 to index
        %swap3A_261 = arith.constant 16 : index
        %swap3A_262 = tpu.vector_load %arg10[%swap3A_260, %swap3A_261] {strides = array<i32>} : memref<128x64xf32, #tpu.memory_space<vmem>>, vector<1x16xf32>,
        %swap3A_263 = vector.shape_cast %swap3A_262 : vector<1x16xf32> to vector<16xf32>
        %swap3A_264 = vector.shape_cast %select_n3A_259 : vector<16xf32> to vector<1x16xf32>
        tpu.vector_store %arg10[%swap3A_260, %swap3A_261], %swap3A_264 {strides = array<i32>} : memref<128x64xf32, #tpu.memory_space<vmem>>, vector<1x16xf32>,
        %get3A_265 = arith.index_cast %scan3A_242 : i32 to index
        %get3A_266 = arith.constant 32 : index
        %get3A_267 = tpu.vector_load %arg8[%get3A_265, %get3A_266] {strides = array<i32>} : memref<128x64xf32, #tpu.memory_space<vmem>>, vector<1x16xf32>,
        %get3A_268 = vector.shape_cast %get3A_267 : vector<1x16xf32> to vector<16xf32>
        %gt3A_269 = arith.cmpf ogt, %get3A_268, %mul3A_9 : vector<16xf32>
        %select_n3A_270 = arith.select %gt3A_269, %get3A_4, %neg3A_6 : vector<16xi1>, vector<16xf32>
        %swap3A_271 = arith.index_cast %scan3A_242 : i32 to index
        %swap3A_272 = arith.constant 32 : index
        %swap3A_273 = tpu.vector_load %arg10[%swap3A_271, %swap3A_272] {strides = array<i32>} : memref<128x64xf32, #tpu.memory_space<vmem>>, vector<1x16xf32>,
        %swap3A_274 = vector.shape_cast %swap3A_273 : vector<1x16xf32> to vector<16xf32>
        %swap3A_275 = vector.shape_cast %select_n3A_270 : vector<16xf32> to vector<1x16xf32>
        tpu.vector_store %arg10[%swap3A_271, %swap3A_272], %swap3A_275 {strides = array<i32>} : memref<128x64xf32, #tpu.memory_space<vmem>>, vector<1x16xf32>,
        %get3A_276 = arith.index_cast %scan3A_242 : i32 to index
        %get3A_277 = arith.constant 48 : index
        %get3A_278 = tpu.vector_load %arg8[%get3A_276, %get3A_277] {strides = array<i32>} : memref<128x64xf32, #tpu.memory_space<vmem>>, vector<1x16xf32>,
        %get3A_279 = vector.shape_cast %get3A_278 : vector<1x16xf32> to vector<16xf32>
        %gt3A_280 = arith.cmpf ogt, %get3A_279, %mul3A_9 : vector<16xf32>
        %select_n3A_281 = arith.select %gt3A_280, %get3A_4, %neg3A_6 : vector<16xi1>, vector<16xf32>
        %swap3A_282 = arith.index_cast %scan3A_242 : i32 to index
        %swap3A_283 = arith.constant 48 : index
        %swap3A_284 = tpu.vector_load %arg10[%swap3A_282, %swap3A_283] {strides = array<i32>} : memref<128x64xf32, #tpu.memory_space<vmem>>, vector<1x16xf32>,
        %swap3A_285 = vector.shape_cast %swap3A_284 : vector<1x16xf32> to vector<16xf32>
        %swap3A_286 = vector.shape_cast %select_n3A_281 : vector<16xf32> to vector<1x16xf32>
        tpu.vector_store %arg10[%swap3A_282, %swap3A_283], %swap3A_286 {strides = array<i32>} : memref<128x64xf32, #tpu.memory_space<vmem>>, vector<1x16xf32>,
      }
      %scan3A_55 = arith.constant 128 : i32
      %mul3A_56 = arith.constant 2 : i32
      %mul3A_57 = arith.muli %mul3A_56, %scan3A_39 : i32
      %mul3A_58 = arith.constant 128 : i32
      %mul3A_59 = arith.muli %mul3A_57, %mul3A_58 : i32
      %add3A_60 = arith.addi %mul3A_2, %mul3A_59 : i32
      %dma_start3A_61 = arith.constant 0 : i32
      %dma_start3A_62 = tpu.memref_slice %arg5[%add3A_60, %dma_start3A_61] : memref<204800x64xf32, #tpu.memory_space<hbm>> -> memref<128x64xf32, #tpu.memory_space<hbm>>
      %dma_start3A_63 = arith.constant 0 : i32
      %dma_start3A_64 = tpu.memref_slice %arg5[%add3A_60, %dma_start3A_63] : memref<204800x64xf32, #tpu.memory_space<hbm>> -> memref<128x64xf32, #tpu.memory_space<hbm>>
      tpu.enqueue_dma source(%arg10 : memref<128x64xf32, #tpu.memory_space<vmem>>) target(%dma_start3A_64 : memref<128x64xf32, #tpu.memory_space<hbm>>) target_semaphore(%arg14 : memref<!tpu.dma_semaphore, #tpu.memory_space<semaphore_mem>>)
      %lt3A = arith.constant 24 : i32
      %lt3A_65 = arith.cmpi slt, %scan3A_39, %lt3A : i32
      %convert_element_type3A_66 = arith.extui %lt3A_65 : i1 to i32
      %cond3A_67 = arith.constant 0 : i32
      %cond3A_68 = arith.cmpi ne, %convert_element_type3A_66, %cond3A_67 : i32
      scf.if %cond3A_68 {
        %mul3A_106 = arith.constant 2 : i32
        %mul3A_107 = arith.muli %mul3A_106, %scan3A_39 : i32
        %add3A_108 = arith.constant 2 : i32
        %add3A_109 = arith.addi %mul3A_107, %add3A_108 : i32
        %dma_start3A_110 = arith.constant 0 : i32
        %dma_start3A_111 = tpu.memref_slice %arg6[%add3A_109, %dma_start3A_110] : memref<50x128xi32, #tpu.memory_space<vmem>> -> memref<1x128xi32, #tpu.memory_space<vmem>>
        %dma_start3A_112 = tpu.memref_squeeze %dma_start3A_111 : memref<1x128xi32, #tpu.memory_space<vmem>> -> memref<128xi32, #tpu.memory_space<vmem>>
        %dma_start3A_113 = arith.constant 0 : i32
        %dma_start3A_114 = arith.constant 0 : i32
        %dma_start3A_115 = tpu.memref_slice %arg3[%dma_start3A_113, %dma_start3A_114] : memref<1000000x64xf32, #tpu.memory_space<hbm>> -> memref<1000000x64xf32, #tpu.memory_space<hbm>>
        tpu.enqueue_indirect_dma source(%dma_start3A_115 : memref<1000000x64xf32, #tpu.memory_space<hbm>>) target(%arg8 : memref<128x64xf32, #tpu.memory_space<vmem>>) offsets(%dma_start3A_112 : memref<128xi32, #tpu.memory_space<vmem>>) semaphore(%arg12 : memref<!tpu.dma_semaphore, #tpu.memory_space<semaphore_mem>>)
      } else {
      }
      %mul3A_69 = arith.constant 2 : i32
      %mul3A_70 = arith.muli %mul3A_69, %scan3A_39 : i32
      %add3A_71 = arith.constant 1 : i32
      %add3A_72 = arith.addi %mul3A_70, %add3A_71 : i32
      %dma_wait3A_73 = arith.constant 0 : i32
      %dma_wait3A_74 = tpu.memref_slice %arg6[%add3A_72, %dma_wait3A_73] : memref<50x128xi32, #tpu.memory_space<vmem>> -> memref<1x128xi32, #tpu.memory_space<vmem>>
      %dma_wait3A_75 = tpu.memref_squeeze %dma_wait3A_74 : memref<1x128xi32, #tpu.memory_space<vmem>> -> memref<128xi32, #tpu.memory_space<vmem>>
      %dma_wait3A_76 = arith.constant 0 : i32
      %dma_wait3A_77 = arith.constant 0 : i32
      %dma_wait3A_78 = tpu.memref_slice %arg3[%dma_wait3A_76, %dma_wait3A_77] : memref<1000000x64xf32, #tpu.memory_space<hbm>> -> memref<1000000x64xf32, #tpu.memory_space<hbm>>
      tpu.wait_indirect_dma semaphore(%arg13 : memref<!tpu.dma_semaphore, #tpu.memory_space<semaphore_mem>>) src(%dma_wait3A_78 : memref<1000000x64xf32, #tpu.memory_space<hbm>>) dst(%arg9 : memref<128x64xf32, #tpu.memory_space<vmem>>)
      %gt3A_79 = arith.constant 0 : i32
      %gt3A_80 = arith.cmpi sgt, %scan3A_39, %gt3A_79 : i32
      %convert_element_type3A_81 = arith.extui %gt3A_80 : i1 to i32
      %cond3A_82 = arith.constant 0 : i32
      %cond3A_83 = arith.cmpi ne, %convert_element_type3A_81, %cond3A_82 : i32
      scf.if %cond3A_83 {
        %add3A_106 = arith.constant 0 : i32
        %add3A_107 = arith.addi %mul3A_2, %add3A_106 : i32
        %dma_wait3A_108 = arith.constant 0 : i32
        %dma_wait3A_109 = tpu.memref_slice %arg5[%add3A_107, %dma_wait3A_108] : memref<204800x64xf32, #tpu.memory_space<hbm>> -> memref<128x64xf32, #tpu.memory_space<hbm>>
        %dma_wait3A_110 = arith.constant 0 : i32
        %dma_wait3A_111 = tpu.memref_slice %arg5[%add3A_107, %dma_wait3A_110] : memref<204800x64xf32, #tpu.memory_space<hbm>> -> memref<128x64xf32, #tpu.memory_space<hbm>>
        tpu.wait_dma2 semaphore(%arg15 : memref<!tpu.dma_semaphore, #tpu.memory_space<semaphore_mem>>) src(%arg11 : memref<128x64xf32, #tpu.memory_space<vmem>>) dst(%dma_wait3A_111 : memref<128x64xf32, #tpu.memory_space<hbm>>)
      } else {
      }
      %scan3A_84 = arith.constant 0 : i32
      %scan3A_85 = arith.constant 0 : i32
      %scan3A_86 = arith.constant 128 : i32
      %scan3A_87 = arith.addi %scan3A_85, %scan3A_86 : i32
      %scan3A_88 = arith.constant 4 : i32
      scf.for %scan3A_106 = %scan3A_85 to %scan3A_87 step %scan3A_88  : i32 {
        %get3A_107 = arith.index_cast %scan3A_106 : i32 to index
        %get3A_108 = arith.constant 0 : index
        %get3A_109 = tpu.vector_load %arg9[%get3A_107, %get3A_108] {strides = array<i32>} : memref<128x64xf32, #tpu.memory_space<vmem>>, vector<1x16xf32>,
        %get3A_110 = vector.shape_cast %get3A_109 : vector<1x16xf32> to vector<16xf32>
        %gt3A_111 = arith.cmpf ogt, %get3A_110, %mul3A_9 : vector<16xf32>
        %select_n3A = arith.select %gt3A_111, %get3A_4, %neg3A_6 : vector<16xi1>, vector<16xf32>
        %swap3A = arith.index_cast %scan3A_106 : i32 to index
        %swap3A_112 = arith.constant 0 : index
        %swap3A_113 = tpu.vector_load %arg11[%swap3A, %swap3A_112] {strides = array<i32>} : memref<128x64xf32, #tpu.memory_space<vmem>>, vector<1x16xf32>,
        %swap3A_114 = vector.shape_cast %swap3A_113 : vector<1x16xf32> to vector<16xf32>
        %swap3A_115 = vector.shape_cast %select_n3A : vector<16xf32> to vector<1x16xf32>
        tpu.vector_store %arg11[%swap3A, %swap3A_112], %swap3A_115 {strides = array<i32>} : memref<128x64xf32, #tpu.memory_space<vmem>>, vector<1x16xf32>,
        %get3A_116 = arith.index_cast %scan3A_106 : i32 to index
        %get3A_117 = arith.constant 16 : index
        %get3A_118 = tpu.vector_load %arg9[%get3A_116, %get3A_117] {strides = array<i32>} : memref<128x64xf32, #tpu.memory_space<vmem>>, vector<1x16xf32>,
        %get3A_119 = vector.shape_cast %get3A_118 : vector<1x16xf32> to vector<16xf32>
        %gt3A_120 = arith.cmpf ogt, %get3A_119, %mul3A_9 : vector<16xf32>
        %select_n3A_121 = arith.select %gt3A_120, %get3A_4, %neg3A_6 : vector<16xi1>, vector<16xf32>
        %swap3A_122 = arith.index_cast %scan3A_106 : i32 to index
        %swap3A_123 = arith.constant 16 : index
        %swap3A_124 = tpu.vector_load %arg11[%swap3A_122, %swap3A_123] {strides = array<i32>} : memref<128x64xf32, #tpu.memory_space<vmem>>, vector<1x16xf32>,
        %swap3A_125 = vector.shape_cast %swap3A_124 : vector<1x16xf32> to vector<16xf32>
        %swap3A_126 = vector.shape_cast %select_n3A_121 : vector<16xf32> to vector<1x16xf32>
        tpu.vector_store %arg11[%swap3A_122, %swap3A_123], %swap3A_126 {strides = array<i32>} : memref<128x64xf32, #tpu.memory_space<vmem>>, vector<1x16xf32>,
        %get3A_127 = arith.index_cast %scan3A_106 : i32 to index
        %get3A_128 = arith.constant 32 : index
        %get3A_129 = tpu.vector_load %arg9[%get3A_127, %get3A_128] {strides = array<i32>} : memref<128x64xf32, #tpu.memory_space<vmem>>, vector<1x16xf32>,
        %get3A_130 = vector.shape_cast %get3A_129 : vector<1x16xf32> to vector<16xf32>
        %gt3A_131 = arith.cmpf ogt, %get3A_130, %mul3A_9 : vector<16xf32>
        %select_n3A_132 = arith.select %gt3A_131, %get3A_4, %neg3A_6 : vector<16xi1>, vector<16xf32>
        %swap3A_133 = arith.index_cast %scan3A_106 : i32 to index
        %swap3A_134 = arith.constant 32 : index
        %swap3A_135 = tpu.vector_load %arg11[%swap3A_133, %swap3A_134] {strides = array<i32>} : memref<128x64xf32, #tpu.memory_space<vmem>>, vector<1x16xf32>,
        %swap3A_136 = vector.shape_cast %swap3A_135 : vector<1x16xf32> to vector<16xf32>
        %swap3A_137 = vector.shape_cast %select_n3A_132 : vector<16xf32> to vector<1x16xf32>
        tpu.vector_store %arg11[%swap3A_133, %swap3A_134], %swap3A_137 {strides = array<i32>} : memref<128x64xf32, #tpu.memory_space<vmem>>, vector<1x16xf32>,
        %get3A_138 = arith.index_cast %scan3A_106 : i32 to index
        %get3A_139 = arith.constant 48 : index
        %get3A_140 = tpu.vector_load %arg9[%get3A_138, %get3A_139] {strides = array<i32>} : memref<128x64xf32, #tpu.memory_space<vmem>>, vector<1x16xf32>,
        %get3A_141 = vector.shape_cast %get3A_140 : vector<1x16xf32> to vector<16xf32>
        %gt3A_142 = arith.cmpf ogt, %get3A_141, %mul3A_9 : vector<16xf32>
        %select_n3A_143 = arith.select %gt3A_142, %get3A_4, %neg3A_6 : vector<16xi1>, vector<16xf32>
        %swap3A_144 = arith.index_cast %scan3A_106 : i32 to index
        %swap3A_145 = arith.constant 48 : index
        %swap3A_146 = tpu.vector_load %arg11[%swap3A_144, %swap3A_145] {strides = array<i32>} : memref<128x64xf32, #tpu.memory_space<vmem>>, vector<1x16xf32>,
        %swap3A_147 = vector.shape_cast %swap3A_146 : vector<1x16xf32> to vector<16xf32>
        %swap3A_148 = vector.shape_cast %select_n3A_143 : vector<16xf32> to vector<1x16xf32>
        tpu.vector_store %arg11[%swap3A_144, %swap3A_145], %swap3A_148 {strides = array<i32>} : memref<128x64xf32, #tpu.memory_space<vmem>>, vector<1x16xf32>,
        %scan3A_149 = arith.constant 1 : i32
        %scan3A_150 = arith.addi %scan3A_106, %scan3A_149 : i32
        %get3A_151 = arith.index_cast %scan3A_150 : i32 to index
        %get3A_152 = arith.constant 0 : index
        %get3A_153 = tpu.vector_load %arg9[%get3A_151, %get3A_152] {strides = array<i32>} : memref<128x64xf32, #tpu.memory_space<vmem>>, vector<1x16xf32>,
        %get3A_154 = vector.shape_cast %get3A_153 : vector<1x16xf32> to vector<16xf32>
        %gt3A_155 = arith.cmpf ogt, %get3A_154, %mul3A_9 : vector<16xf32>
        %select_n3A_156 = arith.select %gt3A_155, %get3A_4, %neg3A_6 : vector<16xi1>, vector<16xf32>
        %swap3A_157 = arith.index_cast %scan3A_150 : i32 to index
        %swap3A_158 = arith.constant 0 : index
        %swap3A_159 = tpu.vector_load %arg11[%swap3A_157, %swap3A_158] {strides = array<i32>} : memref<128x64xf32, #tpu.memory_space<vmem>>, vector<1x16xf32>,
        %swap3A_160 = vector.shape_cast %swap3A_159 : vector<1x16xf32> to vector<16xf32>
        %swap3A_161 = vector.shape_cast %select_n3A_156 : vector<16xf32> to vector<1x16xf32>
        tpu.vector_store %arg11[%swap3A_157, %swap3A_158], %swap3A_161 {strides = array<i32>} : memref<128x64xf32, #tpu.memory_space<vmem>>, vector<1x16xf32>,
        %get3A_162 = arith.index_cast %scan3A_150 : i32 to index
        %get3A_163 = arith.constant 16 : index
        %get3A_164 = tpu.vector_load %arg9[%get3A_162, %get3A_163] {strides = array<i32>} : memref<128x64xf32, #tpu.memory_space<vmem>>, vector<1x16xf32>,
        %get3A_165 = vector.shape_cast %get3A_164 : vector<1x16xf32> to vector<16xf32>
        %gt3A_166 = arith.cmpf ogt, %get3A_165, %mul3A_9 : vector<16xf32>
        %select_n3A_167 = arith.select %gt3A_166, %get3A_4, %neg3A_6 : vector<16xi1>, vector<16xf32>
        %swap3A_168 = arith.index_cast %scan3A_150 : i32 to index
        %swap3A_169 = arith.constant 16 : index
        %swap3A_170 = tpu.vector_load %arg11[%swap3A_168, %swap3A_169] {strides = array<i32>} : memref<128x64xf32, #tpu.memory_space<vmem>>, vector<1x16xf32>,
        %swap3A_171 = vector.shape_cast %swap3A_170 : vector<1x16xf32> to vector<16xf32>
        %swap3A_172 = vector.shape_cast %select_n3A_167 : vector<16xf32> to vector<1x16xf32>
        tpu.vector_store %arg11[%swap3A_168, %swap3A_169], %swap3A_172 {strides = array<i32>} : memref<128x64xf32, #tpu.memory_space<vmem>>, vector<1x16xf32>,
        %get3A_173 = arith.index_cast %scan3A_150 : i32 to index
        %get3A_174 = arith.constant 32 : index
        %get3A_175 = tpu.vector_load %arg9[%get3A_173, %get3A_174] {strides = array<i32>} : memref<128x64xf32, #tpu.memory_space<vmem>>, vector<1x16xf32>,
        %get3A_176 = vector.shape_cast %get3A_175 : vector<1x16xf32> to vector<16xf32>
        %gt3A_177 = arith.cmpf ogt, %get3A_176, %mul3A_9 : vector<16xf32>
        %select_n3A_178 = arith.select %gt3A_177, %get3A_4, %neg3A_6 : vector<16xi1>, vector<16xf32>
        %swap3A_179 = arith.index_cast %scan3A_150 : i32 to index
        %swap3A_180 = arith.constant 32 : index
        %swap3A_181 = tpu.vector_load %arg11[%swap3A_179, %swap3A_180] {strides = array<i32>} : memref<128x64xf32, #tpu.memory_space<vmem>>, vector<1x16xf32>,
        %swap3A_182 = vector.shape_cast %swap3A_181 : vector<1x16xf32> to vector<16xf32>
        %swap3A_183 = vector.shape_cast %select_n3A_178 : vector<16xf32> to vector<1x16xf32>
        tpu.vector_store %arg11[%swap3A_179, %swap3A_180], %swap3A_183 {strides = array<i32>} : memref<128x64xf32, #tpu.memory_space<vmem>>, vector<1x16xf32>,
        %get3A_184 = arith.index_cast %scan3A_150 : i32 to index
        %get3A_185 = arith.constant 48 : index
        %get3A_186 = tpu.vector_load %arg9[%get3A_184, %get3A_185] {strides = array<i32>} : memref<128x64xf32, #tpu.memory_space<vmem>>, vector<1x16xf32>,
        %get3A_187 = vector.shape_cast %get3A_186 : vector<1x16xf32> to vector<16xf32>
        %gt3A_188 = arith.cmpf ogt, %get3A_187, %mul3A_9 : vector<16xf32>
        %select_n3A_189 = arith.select %gt3A_188, %get3A_4, %neg3A_6 : vector<16xi1>, vector<16xf32>
        %swap3A_190 = arith.index_cast %scan3A_150 : i32 to index
        %swap3A_191 = arith.constant 48 : index
        %swap3A_192 = tpu.vector_load %arg11[%swap3A_190, %swap3A_191] {strides = array<i32>} : memref<128x64xf32, #tpu.memory_space<vmem>>, vector<1x16xf32>,
        %swap3A_193 = vector.shape_cast %swap3A_192 : vector<1x16xf32> to vector<16xf32>
        %swap3A_194 = vector.shape_cast %select_n3A_189 : vector<16xf32> to vector<1x16xf32>
        tpu.vector_store %arg11[%swap3A_190, %swap3A_191], %swap3A_194 {strides = array<i32>} : memref<128x64xf32, #tpu.memory_space<vmem>>, vector<1x16xf32>,
        %scan3A_195 = arith.constant 2 : i32
        %scan3A_196 = arith.addi %scan3A_106, %scan3A_195 : i32
        %get3A_197 = arith.index_cast %scan3A_196 : i32 to index
        %get3A_198 = arith.constant 0 : index
        %get3A_199 = tpu.vector_load %arg9[%get3A_197, %get3A_198] {strides = array<i32>} : memref<128x64xf32, #tpu.memory_space<vmem>>, vector<1x16xf32>,
        %get3A_200 = vector.shape_cast %get3A_199 : vector<1x16xf32> to vector<16xf32>
        %gt3A_201 = arith.cmpf ogt, %get3A_200, %mul3A_9 : vector<16xf32>
        %select_n3A_202 = arith.select %gt3A_201, %get3A_4, %neg3A_6 : vector<16xi1>, vector<16xf32>
        %swap3A_203 = arith.index_cast %scan3A_196 : i32 to index
        %swap3A_204 = arith.constant 0 : index
        %swap3A_205 = tpu.vector_load %arg11[%swap3A_203, %swap3A_204] {strides = array<i32>} : memref<128x64xf32, #tpu.memory_space<vmem>>, vector<1x16xf32>,
        %swap3A_206 = vector.shape_cast %swap3A_205 : vector<1x16xf32> to vector<16xf32>
        %swap3A_207 = vector.shape_cast %select_n3A_202 : vector<16xf32> to vector<1x16xf32>
        tpu.vector_store %arg11[%swap3A_203, %swap3A_204], %swap3A_207 {strides = array<i32>} : memref<128x64xf32, #tpu.memory_space<vmem>>, vector<1x16xf32>,
        %get3A_208 = arith.index_cast %scan3A_196 : i32 to index
        %get3A_209 = arith.constant 16 : index
        %get3A_210 = tpu.vector_load %arg9[%get3A_208, %get3A_209] {strides = array<i32>} : memref<128x64xf32, #tpu.memory_space<vmem>>, vector<1x16xf32>,
        %get3A_211 = vector.shape_cast %get3A_210 : vector<1x16xf32> to vector<16xf32>
        %gt3A_212 = arith.cmpf ogt, %get3A_211, %mul3A_9 : vector<16xf32>
        %select_n3A_213 = arith.select %gt3A_212, %get3A_4, %neg3A_6 : vector<16xi1>, vector<16xf32>
        %swap3A_214 = arith.index_cast %scan3A_196 : i32 to index
        %swap3A_215 = arith.constant 16 : index
        %swap3A_216 = tpu.vector_load %arg11[%swap3A_214, %swap3A_215] {strides = array<i32>} : memref<128x64xf32, #tpu.memory_space<vmem>>, vector<1x16xf32>,
        %swap3A_217 = vector.shape_cast %swap3A_216 : vector<1x16xf32> to vector<16xf32>
        %swap3A_218 = vector.shape_cast %select_n3A_213 : vector<16xf32> to vector<1x16xf32>
        tpu.vector_store %arg11[%swap3A_214, %swap3A_215], %swap3A_218 {strides = array<i32>} : memref<128x64xf32, #tpu.memory_space<vmem>>, vector<1x16xf32>,
        %get3A_219 = arith.index_cast %scan3A_196 : i32 to index
        %get3A_220 = arith.constant 32 : index
        %get3A_221 = tpu.vector_load %arg9[%get3A_219, %get3A_220] {strides = array<i32>} : memref<128x64xf32, #tpu.memory_space<vmem>>, vector<1x16xf32>,
        %get3A_222 = vector.shape_cast %get3A_221 : vector<1x16xf32> to vector<16xf32>
        %gt3A_223 = arith.cmpf ogt, %get3A_222, %mul3A_9 : vector<16xf32>
        %select_n3A_224 = arith.select %gt3A_223, %get3A_4, %neg3A_6 : vector<16xi1>, vector<16xf32>
        %swap3A_225 = arith.index_cast %scan3A_196 : i32 to index
        %swap3A_226 = arith.constant 32 : index
        %swap3A_227 = tpu.vector_load %arg11[%swap3A_225, %swap3A_226] {strides = array<i32>} : memref<128x64xf32, #tpu.memory_space<vmem>>, vector<1x16xf32>,
        %swap3A_228 = vector.shape_cast %swap3A_227 : vector<1x16xf32> to vector<16xf32>
        %swap3A_229 = vector.shape_cast %select_n3A_224 : vector<16xf32> to vector<1x16xf32>
        tpu.vector_store %arg11[%swap3A_225, %swap3A_226], %swap3A_229 {strides = array<i32>} : memref<128x64xf32, #tpu.memory_space<vmem>>, vector<1x16xf32>,
        %get3A_230 = arith.index_cast %scan3A_196 : i32 to index
        %get3A_231 = arith.constant 48 : index
        %get3A_232 = tpu.vector_load %arg9[%get3A_230, %get3A_231] {strides = array<i32>} : memref<128x64xf32, #tpu.memory_space<vmem>>, vector<1x16xf32>,
        %get3A_233 = vector.shape_cast %get3A_232 : vector<1x16xf32> to vector<16xf32>
        %gt3A_234 = arith.cmpf ogt, %get3A_233, %mul3A_9 : vector<16xf32>
        %select_n3A_235 = arith.select %gt3A_234, %get3A_4, %neg3A_6 : vector<16xi1>, vector<16xf32>
        %swap3A_236 = arith.index_cast %scan3A_196 : i32 to index
        %swap3A_237 = arith.constant 48 : index
        %swap3A_238 = tpu.vector_load %arg11[%swap3A_236, %swap3A_237] {strides = array<i32>} : memref<128x64xf32, #tpu.memory_space<vmem>>, vector<1x16xf32>,
        %swap3A_239 = vector.shape_cast %swap3A_238 : vector<1x16xf32> to vector<16xf32>
        %swap3A_240 = vector.shape_cast %select_n3A_235 : vector<16xf32> to vector<1x16xf32>
        tpu.vector_store %arg11[%swap3A_236, %swap3A_237], %swap3A_240 {strides = array<i32>} : memref<128x64xf32, #tpu.memory_space<vmem>>, vector<1x16xf32>,
        %scan3A_241 = arith.constant 3 : i32
        %scan3A_242 = arith.addi %scan3A_106, %scan3A_241 : i32
        %get3A_243 = arith.index_cast %scan3A_242 : i32 to index
        %get3A_244 = arith.constant 0 : index
        %get3A_245 = tpu.vector_load %arg9[%get3A_243, %get3A_244] {strides = array<i32>} : memref<128x64xf32, #tpu.memory_space<vmem>>, vector<1x16xf32>,
        %get3A_246 = vector.shape_cast %get3A_245 : vector<1x16xf32> to vector<16xf32>
        %gt3A_247 = arith.cmpf ogt, %get3A_246, %mul3A_9 : vector<16xf32>
        %select_n3A_248 = arith.select %gt3A_247, %get3A_4, %neg3A_6 : vector<16xi1>, vector<16xf32>
        %swap3A_249 = arith.index_cast %scan3A_242 : i32 to index
        %swap3A_250 = arith.constant 0 : index
        %swap3A_251 = tpu.vector_load %arg11[%swap3A_249, %swap3A_250] {strides = array<i32>} : memref<128x64xf32, #tpu.memory_space<vmem>>, vector<1x16xf32>,
        %swap3A_252 = vector.shape_cast %swap3A_251 : vector<1x16xf32> to vector<16xf32>
        %swap3A_253 = vector.shape_cast %select_n3A_248 : vector<16xf32> to vector<1x16xf32>
        tpu.vector_store %arg11[%swap3A_249, %swap3A_250], %swap3A_253 {strides = array<i32>} : memref<128x64xf32, #tpu.memory_space<vmem>>, vector<1x16xf32>,
        %get3A_254 = arith.index_cast %scan3A_242 : i32 to index
        %get3A_255 = arith.constant 16 : index
        %get3A_256 = tpu.vector_load %arg9[%get3A_254, %get3A_255] {strides = array<i32>} : memref<128x64xf32, #tpu.memory_space<vmem>>, vector<1x16xf32>,
        %get3A_257 = vector.shape_cast %get3A_256 : vector<1x16xf32> to vector<16xf32>
        %gt3A_258 = arith.cmpf ogt, %get3A_257, %mul3A_9 : vector<16xf32>
        %select_n3A_259 = arith.select %gt3A_258, %get3A_4, %neg3A_6 : vector<16xi1>, vector<16xf32>
        %swap3A_260 = arith.index_cast %scan3A_242 : i32 to index
        %swap3A_261 = arith.constant 16 : index
        %swap3A_262 = tpu.vector_load %arg11[%swap3A_260, %swap3A_261] {strides = array<i32>} : memref<128x64xf32, #tpu.memory_space<vmem>>, vector<1x16xf32>,
        %swap3A_263 = vector.shape_cast %swap3A_262 : vector<1x16xf32> to vector<16xf32>
        %swap3A_264 = vector.shape_cast %select_n3A_259 : vector<16xf32> to vector<1x16xf32>
        tpu.vector_store %arg11[%swap3A_260, %swap3A_261], %swap3A_264 {strides = array<i32>} : memref<128x64xf32, #tpu.memory_space<vmem>>, vector<1x16xf32>,
        %get3A_265 = arith.index_cast %scan3A_242 : i32 to index
        %get3A_266 = arith.constant 32 : index
        %get3A_267 = tpu.vector_load %arg9[%get3A_265, %get3A_266] {strides = array<i32>} : memref<128x64xf32, #tpu.memory_space<vmem>>, vector<1x16xf32>,
        %get3A_268 = vector.shape_cast %get3A_267 : vector<1x16xf32> to vector<16xf32>
        %gt3A_269 = arith.cmpf ogt, %get3A_268, %mul3A_9 : vector<16xf32>
        %select_n3A_270 = arith.select %gt3A_269, %get3A_4, %neg3A_6 : vector<16xi1>, vector<16xf32>
        %swap3A_271 = arith.index_cast %scan3A_242 : i32 to index
        %swap3A_272 = arith.constant 32 : index
        %swap3A_273 = tpu.vector_load %arg11[%swap3A_271, %swap3A_272] {strides = array<i32>} : memref<128x64xf32, #tpu.memory_space<vmem>>, vector<1x16xf32>,
        %swap3A_274 = vector.shape_cast %swap3A_273 : vector<1x16xf32> to vector<16xf32>
        %swap3A_275 = vector.shape_cast %select_n3A_270 : vector<16xf32> to vector<1x16xf32>
        tpu.vector_store %arg11[%swap3A_271, %swap3A_272], %swap3A_275 {strides = array<i32>} : memref<128x64xf32, #tpu.memory_space<vmem>>, vector<1x16xf32>,
        %get3A_276 = arith.index_cast %scan3A_242 : i32 to index
        %get3A_277 = arith.constant 48 : index
        %get3A_278 = tpu.vector_load %arg9[%get3A_276, %get3A_277] {strides = array<i32>} : memref<128x64xf32, #tpu.memory_space<vmem>>, vector<1x16xf32>,
        %get3A_279 = vector.shape_cast %get3A_278 : vector<1x16xf32> to vector<16xf32>
        %gt3A_280 = arith.cmpf ogt, %get3A_279, %mul3A_9 : vector<16xf32>
        %select_n3A_281 = arith.select %gt3A_280, %get3A_4, %neg3A_6 : vector<16xi1>, vector<16xf32>
        %swap3A_282 = arith.index_cast %scan3A_242 : i32 to index
        %swap3A_283 = arith.constant 48 : index
        %swap3A_284 = tpu.vector_load %arg11[%swap3A_282, %swap3A_283] {strides = array<i32>} : memref<128x64xf32, #tpu.memory_space<vmem>>, vector<1x16xf32>,
        %swap3A_285 = vector.shape_cast %swap3A_284 : vector<1x16xf32> to vector<16xf32>
        %swap3A_286 = vector.shape_cast %select_n3A_281 : vector<16xf32> to vector<1x16xf32>
        tpu.vector_store %arg11[%swap3A_282, %swap3A_283], %swap3A_286 {strides = array<i32>} : memref<128x64xf32, #tpu.memory_space<vmem>>, vector<1x16xf32>,
      }
      %scan3A_89 = arith.constant 128 : i32
      %mul3A_90 = arith.constant 2 : i32
      %mul3A_91 = arith.muli %mul3A_90, %scan3A_39 : i32
      %add3A_92 = arith.constant 1 : i32
      %add3A_93 = arith.addi %mul3A_91, %add3A_92 : i32
      %mul3A_94 = arith.constant 128 : i32
      %mul3A_95 = arith.muli %add3A_93, %mul3A_94 : i32
      %add3A_96 = arith.addi %mul3A_2, %mul3A_95 : i32
      %dma_start3A_97 = arith.constant 0 : i32
      %dma_start3A_98 = tpu.memref_slice %arg5[%add3A_96, %dma_start3A_97] : memref<204800x64xf32, #tpu.memory_space<hbm>> -> memref<128x64xf32, #tpu.memory_space<hbm>>
      %dma_start3A_99 = arith.constant 0 : i32
      %dma_start3A_100 = tpu.memref_slice %arg5[%add3A_96, %dma_start3A_99] : memref<204800x64xf32, #tpu.memory_space<hbm>> -> memref<128x64xf32, #tpu.memory_space<hbm>>
      tpu.enqueue_dma source(%arg11 : memref<128x64xf32, #tpu.memory_space<vmem>>) target(%dma_start3A_100 : memref<128x64xf32, #tpu.memory_space<hbm>>) target_semaphore(%arg15 : memref<!tpu.dma_semaphore, #tpu.memory_space<semaphore_mem>>)
      %lt3A_101 = arith.constant 24 : i32
      %lt3A_102 = arith.cmpi slt, %scan3A_39, %lt3A_101 : i32
      %convert_element_type3A_103 = arith.extui %lt3A_102 : i1 to i32
      %cond3A_104 = arith.constant 0 : i32
      %cond3A_105 = arith.cmpi ne, %convert_element_type3A_103, %cond3A_104 : i32
      scf.if %cond3A_105 {
        %mul3A_106 = arith.constant 2 : i32
        %mul3A_107 = arith.muli %mul3A_106, %scan3A_39 : i32
        %add3A_108 = arith.constant 3 : i32
        %add3A_109 = arith.addi %mul3A_107, %add3A_108 : i32
        %dma_start3A_110 = arith.constant 0 : i32
        %dma_start3A_111 = tpu.memref_slice %arg6[%add3A_109, %dma_start3A_110] : memref<50x128xi32, #tpu.memory_space<vmem>> -> memref<1x128xi32, #tpu.memory_space<vmem>>
        %dma_start3A_112 = tpu.memref_squeeze %dma_start3A_111 : memref<1x128xi32, #tpu.memory_space<vmem>> -> memref<128xi32, #tpu.memory_space<vmem>>
        %dma_start3A_113 = arith.constant 0 : i32
        %dma_start3A_114 = arith.constant 0 : i32
        %dma_start3A_115 = tpu.memref_slice %arg3[%dma_start3A_113, %dma_start3A_114] : memref<1000000x64xf32, #tpu.memory_space<hbm>> -> memref<1000000x64xf32, #tpu.memory_space<hbm>>
        tpu.enqueue_indirect_dma source(%dma_start3A_115 : memref<1000000x64xf32, #tpu.memory_space<hbm>>) target(%arg9 : memref<128x64xf32, #tpu.memory_space<vmem>>) offsets(%dma_start3A_112 : memref<128xi32, #tpu.memory_space<vmem>>) semaphore(%arg13 : memref<!tpu.dma_semaphore, #tpu.memory_space<semaphore_mem>>)
      } else {
      }
    }
    %scan3A_27 = arith.constant 25 : i32
    %add3A_28 = arith.constant 0 : i32
    %add3A_29 = arith.addi %mul3A_2, %add3A_28 : i32
    %dma_wait3A = arith.constant 0 : i32
    %dma_wait3A_30 = tpu.memref_slice %arg5[%add3A_29, %dma_wait3A] : memref<204800x64xf32, #tpu.memory_space<hbm>> -> memref<128x64xf32, #tpu.memory_space<hbm>>
    %dma_wait3A_31 = arith.constant 0 : i32
    %dma_wait3A_32 = tpu.memref_slice %arg5[%add3A_29, %dma_wait3A_31] : memref<204800x64xf32, #tpu.memory_space<hbm>> -> memref<128x64xf32, #tpu.memory_space<hbm>>
    tpu.wait_dma2 semaphore(%arg14 : memref<!tpu.dma_semaphore, #tpu.memory_space<semaphore_mem>>) src(%arg10 : memref<128x64xf32, #tpu.memory_space<vmem>>) dst(%dma_wait3A_32 : memref<128x64xf32, #tpu.memory_space<hbm>>)
    %add3A_33 = arith.constant 0 : i32
    %add3A_34 = arith.addi %mul3A_2, %add3A_33 : i32
    %dma_wait3A_35 = arith.constant 0 : i32
    %dma_wait3A_36 = tpu.memref_slice %arg5[%add3A_34, %dma_wait3A_35] : memref<204800x64xf32, #tpu.memory_space<hbm>> -> memref<128x64xf32, #tpu.memory_space<hbm>>
    %dma_wait3A_37 = arith.constant 0 : i32
    %dma_wait3A_38 = tpu.memref_slice %arg5[%add3A_34, %dma_wait3A_37] : memref<204800x64xf32, #tpu.memory_space<hbm>> -> memref<128x64xf32, #tpu.memory_space<hbm>>
    tpu.wait_dma2 semaphore(%arg15 : memref<!tpu.dma_semaphore, #tpu.memory_space<semaphore_mem>>) src(%arg11 : memref<128x64xf32, #tpu.memory_space<vmem>>) dst(%dma_wait3A_38 : memref<128x64xf32, #tpu.memory_space<hbm>>)
    return
  }
}

</mosaic_0001>

<sc_bundles>
// kernel: kernel.4.cloned.1.call-start
scs
__scs_entry_jumppad:
0x0: {  	(pc) =	sbr.rel $0x88, $3  }
0x1: {  	(tag) =	ssettag $0x0;
	lr =	simm.s32 $0x1  }
0x2: {  	[smem:$0x3F9F] =	sst lr;
	_ =	strace $0xD0000000  }
0x3: {  	_ = 	snop  }
0x4: {  	_ = 	snop  }
0x5: {  	_ = 	snop  }
0x6: {  	_ = 	snop  }
0x7: {  	_ = 	snop  }
__scs_overlays_trampoline_lowered:
0x8: {  	[smem:$0x3FAE] =	sst s0  }
0x9: {  	[smem:$0x3FAF] =	sst s1  }
0xa: {  	[smem:$0x3FB0] =	sst s2  }
0xb: {  	[smem:$0x3FB1] =	sst s3  }
0xc: {  	[smem:$0x3FB2] =	sst s4  }
0xd: {  	[smem:$0x3FB3] =	sst s5  }
0xe: {  	[smem:$0x3FB4] =	sst s6  }
0xf: {  	[smem:$0x3FB5] =	sst s7  }
0x10: {  	[smem:$0x3FB6] =	sst s8  }
0x11: {  	[smem:$0x3FB7] =	sst s9;
	s0 =	simm.s32 @!p0 $0x0  }
0x12: {  	s1 =	sld [smem:$0x3F9D];
	s0 =	simm.s32 @p0 $0x1  }
0x13: {  	[smem:$0x3FB8] =	sst s0;
	s0 =	simm.s32 @!p1 $0x0  }
0x14: {  	s2 =	sld [smem:$0x3F9C];
	s0 =	simm.s32 @p1 $0x1  }
0x15: {  	[smem:$0x3FB9] =	sst s0;
	s0 =	simm.s32 @!p2 $0x0  }
0x16: {  	s3 =	sld [smem:$0x3FDB];
	s0 =	simm.s32 @p2 $0x1  }
0x17: {  	s4 =	simm.s32 $0x1BF5;
	[smem:$0x3FBB] =	sst s0  }
0x18: {  	s0 =	sld [smem:$0x3F9E];
	_ =	swait.ge [sflag:s4], $0x0  }
0x19: {  	s7 =	sld [smem:$0x3F9F]  }
0x1a: {  	s8 =	sadd.s32 $0xFFFFE003, lr  }
0x1b: {  	s9 =	sadd.s32 $0xFFFFFEF7, lr;
	s5 =	simm.s32 $0xFFFFFFFF;
	p2 =	slt.u32 s8, $0xFFFFF086  }
0x1c: {  	p1 =	slt.u32 s9, $0xF7A;
	s5 =	simm.s32 @!p2 $0x0  }
0x1d: {  	s5 =	simm.s32 @p1 $0x1;
	p0 =	seq.s32 s7, s2  }
0x1e: {  	s7 =	smul.u32 @!p0 $0xF7A, s2;
	p2 =	seq.s32 @!p0 s5, $0x0  }
0x1f: {  	s9 =	smul.u32 $0xF7A, s1;
	s8 =	simm.s32 @!p0 $0x1BF5;
	p2 =	por !p2, p0  }
0x20: {  	[sflag:s8] =	ssyncset.s32 @!p0 $0xFFFFF086;
	s6 =	sadd.s32 @!p0 s3, s7;
	s7 =	simm.s32 @!p0 $0x108  }
0x21: {  	s3 =	sadd.s32 s3, s9;
	s6 =	sadd.s32 @!p0 $0x88, s6;
	s7 =	simm.s32 @p2 $0x1082  }
0x22: {  	[simem:s7], [sflag:s8] =	dma.local @!p0 [hbm:s6], $0xF7A  }
0x23: {  	s9 =	sor.u32 $0xD0000000, s2;
	s6 =	simm.s32 $0x108;
	_ =	swait.ge @!p0 [sflag:s8], $0x0  }
0x24: {  	s3 =	sadd.s32 $0x88, s3;
	s6 =	simm.s32 @!p1 $0x1082;
	[sflag:s4] =	ssyncset.s32 $0xFFFFF086  }
0x25: {  	[simem:s6], [sflag:s4] =	dma.local [hbm:s3], $0xF7A  }
0x26: {  	[smem:$0x3F9F] =	sst s1;
	(tag) =	ssettag s2;
	_ =	strace s9  }
0x27: {  	s1 =	sld [smem:$0x3FAF]  }
0x28: {  	s2 =	sld [smem:$0x3FB0]  }
0x29: {  	s4 =	sld [smem:$0x3FB2]  }
0x2a: {  	p0 =	seq.s32 s5, $0x0;
	s5 =	sld [smem:$0x3FB3]  }
0x2b: {  	s6 =	sld [smem:$0x3FB4]  }
0x2c: {  	s7 =	sld [smem:$0x3FB5]  }
0x2d: {  	s3 =	simm.s32 $0x108;
	s8 =	sld [smem:$0x3FB6]  }
0x2e: {  	s3 =	simm.s32 @!p0 $0x1082;
	s9 =	sld [smem:$0x3FB7]  }
0x2f: {  	lr =	sadd.s32 s0, s3;
	s0 =	sld [smem:$0x3FAE]  }
0x30: {  	s3 =	sld [smem:$0x3FB1]  }
0x31: {  	[smem:$0x3FBA] =	sst s10  }
0x32: {  	s10 =	sld [smem:$0x3FB8];
	_ =	sdelay $0x3  }
0x33: {  	p0 =	seq.s32 s10, $0x1;
	s10 =	sld [smem:$0x3FBA];
	_ =	sdelay $0x3  }
0x34: {  	[smem:$0x3FBA] =	sst s10  }
0x35: {  	s10 =	sld [smem:$0x3FB9];
	_ =	sdelay $0x3  }
0x36: {  	p1 =	seq.s32 s10, $0x1;
	s10 =	sld [smem:$0x3FBA];
	_ =	sdelay $0x3  }
0x37: {  	[smem:$0x3FBA] =	sst s10  }
0x38: {  	s10 =	sld [smem:$0x3FBB]  }
0x39: {  	_ = 	snop;
	(pc) =	sbr.ind lr, $3  }
0x3a: {  	_ = 	snop  }
0x3b: {  	_ = 	snop  }
0x3c: {  	p2 =	seq.s32 s10, $0x1;
	s10 =	sld [smem:$0x3FBA]  }
0x3d: {  	_ =	shalt  }
0x3e: {  	_ =	shalt  }
0x3f: {  	_ =	shalt  }
0x40: {  	_ =	shalt  }
0x41: {  	_ =	shalt  }
0x42: {  	_ =	shalt  }
0x43: {  	_ =	shalt  }
0x44: {  	_ =	shalt  }
0x45: {  	_ =	shalt  }
0x46: {  	_ =	shalt  }
0x47: {  	_ =	shalt  }
0x48: {  	_ =	shalt  }
0x49: {  	_ =	shalt  }
0x4a: {  	_ =	shalt  }
0x4b: {  	_ =	shalt  }
0x4c: {  	_ =	shalt  }
0x4d: {  	_ =	shalt  }
0x4e: {  	_ =	shalt  }
0x4f: {  	_ =	shalt  }
0x50: {  	_ =	shalt  }
0x51: {  	_ =	shalt  }
0x52: {  	_ =	shalt  }
0x53: {  	_ =	shalt  }
0x54: {  	_ =	shalt  }
0x55: {  	_ =	shalt  }
0x56: {  	_ =	shalt  }
0x57: {  	_ =	shalt  }
0x58: {  	_ =	shalt  }
0x59: {  	_ =	shalt  }
0x5a: {  	_ =	shalt  }
0x5b: {  	_ =	shalt  }
0x5c: {  	_ =	shalt  }
0x5d: {  	_ =	shalt  }
0x5e: {  	_ =	shalt  }
0x5f: {  	_ =	shalt  }
0x60: {  	_ =	shalt  }
0x61: {  	_ =	shalt  }
0x62: {  	_ =	shalt  }
0x63: {  	_ =	shalt  }
0x64: {  	_ =	shalt  }
0x65: {  	_ =	shalt  }
0x66: {  	_ =	shalt  }
0x67: {  	_ =	shalt  }
0x68: {  	_ =	shalt  }
0x69: {  	_ =	shalt  }
0x6a: {  	_ =	shalt  }
0x6b: {  	_ =	shalt  }
0x6c: {  	_ =	shalt  }
0x6d: {  	_ =	shalt  }
0x6e: {  	_ =	shalt  }
0x6f: {  	_ =	shalt  }
0x70: {  	_ =	shalt  }
0x71: {  	_ =	shalt  }
0x72: {  	_ =	shalt  }
0x73: {  	_ =	shalt  }
0x74: {  	_ =	shalt  }
0x75: {  	_ =	shalt  }
0x76: {  	_ =	shalt  }
0x77: {  	_ =	shalt  }
0x78: {  	_ =	shalt  }
0x79: {  	_ =	shalt  }
0x7a: {  	_ =	shalt  }
0x7b: {  	_ =	shalt  }
0x7c: {  	_ =	shalt  }
0x7d: {  	_ =	shalt  }
0x7e: {  	_ =	shalt  }
0x7f: {  	_ =	shalt  }
0x80: {  	_ =	shalt  }
0x81: {  	_ =	shalt  }
0x82: {  	_ =	shalt  }
0x83: {  	_ =	shalt  }
0x84: {  	_ =	shalt  }
0x85: {  	_ =	shalt  }
0x86: {  	_ =	shalt  }
0x87: {  	_ =	shalt  }
.Lfunc_end0:
.L_simem_size_0:
called_computation.1_lowered:
.L_overlay_start_0:
0x88: {  	s2 =	sld [smem:$0x3FD9]  }
0x89: {  	s3 =	sld [smem:$0x3FFE];
	_ =	sdelay $0x1  }
0x8a: {  	s1 =	srdreg.scid  }
0x8b: {  	s0 =	sand.u32 $0x1, s1  }
0x8c: {  	s17 =	sshll.u32 s0, $0xA;
	s2 =	sadd.s32 s3, s2  }
0x8d: {  	s2 =	sadd.s32 s2, s17  }
0x8e: {  	[smem:$0x3FC6] =	sst s2  }
0x8f: {  	_ = 	snop  }
0x90: {  	s2 =	sld [smem:$0x3FD0];
	(tm) =	ssettm $0x1  }
0x91: {  	s18 =	sld [smem:$0x3FFB];
	_ =	sdelay $0x3  }
0x92: {  	_ =	strace s18  }
0x93: {  	s3 =	sld [smem:$0x3FFC];
	_ =	sdelay $0x3  }
0x94: {  	_ =	strace s3  }
0x95: {  	s3 =	sld [smem:$0x3FFD];
	_ =	sdelay $0x3  }
0x96: {  	_ =	strace s3  }
0x97: {  	_ =	strace $0x8FFFFFFF  }
0x98: {  	s19 =	sld [smem:$0x3FDB];
	_ =	sdelay $0x1  }
0x99: {  	s4 =	simm.s32 $_scs_section_size  }
0x9a: {  	s5 =	simm.s32 $_size__tile_overlayer_lowered;
	s6 =	simm.s32 $_tile_overlayer_lowered  }
0x9b: {  	s22 =	simm.s32 $0x1BFF;
	s21 =	sshll.u32 s6, $0x1;
	s3 =	sadd.s32 s4, s19  }
0x9c: {  	s7 =	simm.s32 $0x0;
	s20 =	sshll.u32 s5, $0x1;
	s5 =	sadd.s32 s21, s3  }
0x9d: {  	[timem:s7], [sflag:s22] =	dma.local [hbm:s5], s20  }
0x9e: {  	_ =	swait.ge [sflag:s22], s20  }
0x9f: {  	s4 =	ssub.s32 $0x0, s20;
	[sflag:s22] =	ssyncset.done $0x0  }
0xa0: {  	[sflag:s22] =	ssyncadd.s32 s4;
	_ =	sdelay $0x1  }
0xa1: {  	s23 =	simm.s32 $0x1B8B  }
0xa2: {  	_ =	swait.ge [sflag:s23], $0x1  }
0xa3: {  	[sflag:s23] =	ssyncset.done $0x0  }
0xa4: {  	s25 =	simm.s32 $0x1B8E;
	s24 =	sld [smem:$0x3FFE];
	[sflag:s23] =	ssyncadd.s32 $0xFFFFFFFF  }
0xa5: {  	s26 =	simm.s32 $execute0_lowered;
	[smem:$0x3FD2] =	sst s25  }
0xa6: {  	s5 =	sshll.u32 s26, $0x1;
	_ =	strace $0x80000046;
	[dreg:$0x1] =	wrdreg $0xFFFFFFFF  }
0xa7: {  	s28 =	simm.s32 $_size_execute0_lowered;
	s3 =	sadd.s32 s3, s5;
	[dreg:$0x0] =	wrdreg $0x0  }
0xa8: {  	s5 =	sshll.u32 s28, $0x1;
	[dreg:$0x2] =	wrdreg s3  }
0xa9: {  	[dreg:$0x3] =	wrdreg s5  }
0xaa: {  	[dreg:$0x4] =	wrdreg $0xC0  }
0xab: {  	_ =	task [dreg:s7], $0x5FFFF  }
0xac: {  	[dreg:$0x1] =	wrdreg $0xFFFFFFFF  }
0xad: {  	[dreg:$0x0] =	wrdreg $0x60  }
0xae: {  	[dreg:$0x2] =	wrdreg s24  }
0xaf: {  	[dreg:$0x3] =	wrdreg s2  }
0xb0: {  	[dreg:$0x4] =	wrdreg $0x9  }
0xb1: {  	_ =	task.clear_ibuf [dreg:s7], $0x5FFFF;
	_ =	strace $0x90000046  }
0xb2: {  	s29 =	simm.s32 $0x9;
	_ =	strace $0x80000048  }
0xb3: {  	_ =	swait.ge [sflag:s29], $0x1  }
0xb4: {  	[sflag:s29] =	ssyncadd.s32 $0xFFFFFFFF  }
0xb5: {  	_ =	strace $0x90000048  }
0xb6: {  	_ =	sfence  }
0xb7: {  	s30 =	sld [smem:$0x0];
	_ =	sdelay $0x2  }
0xb8: {  	s31 =	sshll.u32 s1, $0xD;
	s1 =	sshrl.u32 s1, $0x2  }
0xb9: {  	s3 =	sand.u32 $0x4000, s31;
	s1 =	sadd.s32 s1, s30  }
0xba: {  	s0 =	sor.u32 s3, s0;
	s1 =	sshll.u32 s1, $0x11  }
0xbb: {  	s0 =	sor.u32 s1, s0  }
0xbc: {  	s0 =	sadd.s32 $0x8F2B, s0  }
0xbd: {  	[sflag:s0] =	ssyncadd.remote.s32 $0x1  }
0xbe: {  	_ =	sfence.sel $0xFFFF  }
0xbf: {  	[dreg:$0x0] =	wrdreg $0xFFFFFFFF;
	(pc) =	sbr.abs _section_cstart, $3  }
0xc0: {  	[dreg:$0x1] =	wrdreg $0xFFFFFFFF  }
0xc1: {  	_ =	task.clear_ibuf [dreg:s7], $0x2FFFF;
	_ =	strace $0x9FFFFFFF  }
0xc2: {  	(tm) =	ssettm $0x7FFFFFFF  }
0xc3: {  	_ =	shalt  }
tec
execute0_lowered:
.L_overlay_start_1:
0x0: {  	(tag) =	ssettag $0x1  }
0x1: {  	s3 =	rddreg [dreg:$0x0]  }
0x2: {  	s8 =	rddreg [dreg:$0x1]  }
0x3: {  	s0 =	rddreg [dreg:$0x2];
	s4 =	srdreg.scid  }
0x4: {  	s1 =	stileid.u32;
	s2 =	simm.s32 $0x0;
	s12 =	simm.s32 $0x2  }
0x5: {  	s13 =	simm.s32 $0x13880;
	s4 =	sand.u32 $0x1, s4;
	s5 =	sshll.u32 s1, $0x1  }
0x6: {  	s14 =	simm.s32 $0x3;
	[smem:$0x7FF] =	sst s2;
	s7 =	sor.u32 s4, s5  }
0x7: {  	s15 =	simm.s32 $0x0;
	s3 =	sadd.s32 $0xF42E00, s3;
	s5 =	smul.u32 $0x1E8480, s7  }
0x8: {  	_ =	strace $0x80000047;
	s4 =	ssub.s32 $0x2, s4;
	s6 =	smul.u32 $0x3D090, s7  }
.Ltmp0:
0x9: {  	s9 =	sshrl.u32 s4, $0x1;
	s11 =	sshll.u32 s7, $0x1;
	(pc) =	sbr.rel .LBB2_1-.Ltmp0, $4  }
0xa: {  	s10 =	smul.u32 $0x7A12, s7;
	s9 =	ssub.s32 s4, s9;
	s8 =	sadd.s32 s8, s11  }
0xb: {  	s11 =	simm.s32 $0x1;
	s5 =	sshrl.u32 s5, $0x3;
	s4 =	sadd.s32 s3, s6  }
0xc: {  	s6 =	sadd.s32 $0x4E2, s10;
	s7 =	sadd.s32 $0x753, s10;
	s5 =	sadd.s32 s3, s5  }
0xd: {  	s9 =	smax.u32 s9, $0x1;
	s10 =	simm.s32 $0x9C40;
	s5 =	sadd.s32 $0x1388, s5  }
.LBB2_8:
0xe: {  	s15 =	sadd.s32 $0x1, s15  }
0xf: {  	p0 =	sne.s32 s15, s9  }
.Ltmp1:
0x10: {  	[tilespmem:$0x13880] =	vst v0;
	(pc) =	sbr.rel @!p0 .LBB2_9-.Ltmp1, $4  }
0x11: {  	[hbm4b:s8+s2] =	stream.linear.scatter [tilespmem:s13], [sflag:$0x3], $0x10, $0x38;
	[tilespmem:$0x13890] =	vst v63  }
0x12: {  	_ =	swait.ge [sflag:s14], $0x10  }
0x13: {  	[sflag:s14] =	ssyncset.done $0x0  }
0x14: {  	[sflag:s14] =	ssyncadd.s32 $0xFFFFFFF0  }
.LBB2_1:
0x15: {  	[tilespmem:s2], [sflag:$0x1] =	stream.linear.gather [hbm4b:s4+s2], $0x9C40, $0x38;
	[tilespmem:$0x13890] =	vst v63  }
0x16: {  	s16 =	simm.s32 $0x0  }
0x17: {  	v0 =	vimm.f32 $0.0e+00;
	[tilespmem:s10], [sflag:$0x2] =	stream.linear.gather [hbm4b:s5+s2], $0x9C40, $0x38;
	[tilespmem:$0x13890] =	vst v63  }
.LBB2_2:
0x18: {  	_ =	swait.ge [sflag:s11], $0x9C40  }
0x19: {  	[sflag:s11] =	ssyncset.done $0x0  }
0x1a: {  	s18 =	simm.s32 $0x80;
	[sflag:s11] =	ssyncadd.s32 $0xFFFF63C0  }
0x1b: {  	v1 =	vld [tilespmem:s18+$0xFFFFFF80]  }
0x1c: {  	v2 =	vld [tilespmem:s18+$0xFFFFFF90]  }
0x1d: {  	v3 =	vld [tilespmem:s18+$0xFFFFFFA0]  }
0x1e: {  	v4 =	vld [tilespmem:s18+$0xFFFFFFB0]  }
0x1f: {  	v5 =	vld [tilespmem:s18+$0xFFFFFFC0]  }
0x20: {  	v6 =	vld [tilespmem:s18+$0xFFFFFFD0];
	v1 =	vand.u32 $0x7FFFFFFF, v1  }
0x21: {  	v0 =	vmax.f32 v0, v1;
	v1 =	vand.u32 $0x7FFFFFFF, v2;
	v2 =	vld [tilespmem:s18+$0xFFFFFFE0]  }
0x22: {  	v0 =	vmax.f32 v0, v1;
	v1 =	vand.u32 $0x7FFFFFFF, v3;
	v3 =	vld [tilespmem:s18+$0xFFFFFFF0]  }
0x23: {  	v7 =	vld [tilespmem:s18+$0x0];
	v0 =	vmax.f32 v0, v1;
	v1 =	vand.u32 $0x7FFFFFFF, v4  }
0x24: {  	v0 =	vmax.f32 v0, v1;
	v1 =	vand.u32 $0x7FFFFFFF, v5;
	v5 =	vld [tilespmem:s18+$0x10]  }
0x25: {  	v0 =	vmax.f32 v0, v1;
	v1 =	vand.u32 $0x7FFFFFFF, v6;
	v6 =	vld [tilespmem:s18+$0x20]  }
0x26: {  	v4 =	vld [tilespmem:s18+$0x30];
	v0 =	vmax.f32 v0, v1;
	v1 =	vand.u32 $0x7FFFFFFF, v2  }
0x27: {  	v1 =	vmax.f32 v0, v1;
	v2 =	vand.u32 $0x7FFFFFFF, v3;
	v0 =	vld [tilespmem:s18+$0x40]  }
0x28: {  	v3 =	vand.u32 $0x7FFFFFFF, v7;
	v2 =	vmax.f32 v1, v2;
	v1 =	vld [tilespmem:s18+$0x50]  }
0x29: {  	v3 =	vmax.f32 v2, v3;
	v5 =	vand.u32 $0x7FFFFFFF, v5;
	v2 =	vld [tilespmem:s18+$0x60]  }
0x2a: {  	s17 =	simm.s32 $0x0;
	v5 =	vmax.f32 v3, v5;
	v6 =	vand.u32 $0x7FFFFFFF, v6;
	v3 =	vld [tilespmem:s18+$0x70];
	s18 =	simm.s32 $0x180  }
.LBB2_3:
0x2b: {  	v7 =	vld [tilespmem:s18+$0xFFFFFF80];
	s17 =	sadd.s32 $0x4, s17;
	v5 =	vmax.f32 v5, v6;
	v4 =	vand.u32 $0x7FFFFFFF, v4  }
0x2c: {  	v6 =	vld [tilespmem:s18+$0xFFFFFF90];
	p0 =	slt.u32 s17, $0x26C;
	v4 =	vmax.f32 v5, v4;
	v0 =	vand.u32 $0x7FFFFFFF, v0  }
0x2d: {  	v5 =	vld [tilespmem:s18+$0xFFFFFFA0];
	v0 =	vmax.f32 v4, v0;
	v1 =	vand.u32 $0x7FFFFFFF, v1  }
0x2e: {  	v4 =	vld [tilespmem:s18+$0xFFFFFFB0];
	v0 =	vmax.f32 v0, v1;
	v1 =	vand.u32 $0x7FFFFFFF, v2  }
0x2f: {  	v2 =	vld [tilespmem:s18+$0xFFFFFFC0];
	v0 =	vmax.f32 v0, v1;
	v1 =	vand.u32 $0x7FFFFFFF, v3  }
0x30: {  	v3 =	vand.u32 $0x7FFFFFFF, v7;
	v7 =	vld [tilespmem:s18+$0xFFFFFFD0];
	v0 =	vmax.f32 v0, v1  }
0x31: {  	v0 =	vmax.f32 v0, v3;
	v1 =	vand.u32 $0x7FFFFFFF, v6;
	v3 =	vld [tilespmem:s18+$0xFFFFFFE0]  }
0x32: {  	v0 =	vmax.f32 v0, v1;
	v1 =	vand.u32 $0x7FFFFFFF, v5;
	v5 =	vld [tilespmem:s18+$0xFFFFFFF0]  }
0x33: {  	v0 =	vmax.f32 v0, v1;
	v1 =	vand.u32 $0x7FFFFFFF, v4;
	v6 =	vld [tilespmem:s18+$0x0]  }
0x34: {  	v0 =	vmax.f32 v0, v1;
	v1 =	vand.u32 $0x7FFFFFFF, v2;
	v2 =	vld [tilespmem:s18+$0x10]  }
0x35: {  	v0 =	vmax.f32 v0, v1;
	v1 =	vand.u32 $0x7FFFFFFF, v7;
	v7 =	vld [tilespmem:s18+$0x20]  }
.Ltmp2:
0x36: {  	v0 =	vmax.f32 v0, v1;
	v1 =	vand.u32 $0x7FFFFFFF, v3;
	v4 =	vld [tilespmem:s18+$0x30];
	(pc) =	sbr.rel @p0 .LBB2_3-.Ltmp2, $4  }
0x37: {  	v1 =	vmax.f32 v0, v1;
	v3 =	vand.u32 $0x7FFFFFFF, v5;
	v0 =	vld [tilespmem:s18+$0x40]  }
0x38: {  	v3 =	vmax.f32 v1, v3;
	v5 =	vand.u32 $0x7FFFFFFF, v6;
	v1 =	vld [tilespmem:s18+$0x50]  }
0x39: {  	v3 =	vmax.f32 v3, v5;
	v5 =	vand.u32 $0x7FFFFFFF, v2;
	v2 =	vld [tilespmem:s18+$0x60]  }
0x3a: {  	v5 =	vmax.f32 v3, v5;
	v6 =	vand.u32 $0x7FFFFFFF, v7;
	v3 =	vld [tilespmem:s18+$0x70];
	s18 =	sadd.s32 $0x100, s18  }
0x3b: {  	p0 =	seq.s32 s16, $0x18  }
0x3c: {  	s17 =	smul.u32 @!p0 $0x4E2, s16;
	_ =	sdelay $0x1  }
0x3d: {  	s17 =	sadd.s32 @!p0 s17, s6  }
0x3e: {  	v7 =	vld [tilespmem:$0x9C00];
	s17 =	sshll.u32 @!p0 s17, $0x3  }
0x3f: {  	v8 =	vld [tilespmem:$0x9C10];
	s17 =	sand.u32 @!p0 $0x1FFFFFF0, s17  }
0x40: {  	v9 =	vld [tilespmem:$0x9C20];
	s18 =	simm.s32 @!p0 $0x0;
	s17 =	sadd.s32 @!p0 s3, s17  }
0x41: {  	v10 =	vld [tilespmem:$0x9C30];
	v5 =	vmax.f32 v5, v6;
	v4 =	vand.u32 $0x7FFFFFFF, v4;
	[tilespmem:s18], [sflag:$0x1] =	stream.linear.gather @!p0 [hbm4b:s17+s18], $0x9C40, $0x38  }
0x42: {  	v4 =	vmax.f32 v5, v4;
	v0 =	vand.u32 $0x7FFFFFFF, v0;
	_ =	swait.ge [sflag:s12], $0x9C40  }
0x43: {  	v0 =	vmax.f32 v4, v0;
	v1 =	vand.u32 $0x7FFFFFFF, v1;
	[sflag:s12] =	ssyncset.done $0x0  }
0x44: {  	s31 =	simm.s32 $0x9CC0;
	v0 =	vmax.f32 v0, v1;
	v1 =	vand.u32 $0x7FFFFFFF, v2;
	[sflag:s12] =	ssyncadd.s32 $0xFFFF63C0  }
0x45: {  	v0 =	vmax.f32 v0, v1;
	v1 =	vand.u32 $0x7FFFFFFF, v3;
	v2 =	vld [tilespmem:s31+$0xFFFFFF80]  }
0x46: {  	v0 =	vmax.f32 v0, v1;
	v1 =	vand.u32 $0x7FFFFFFF, v7;
	v3 =	vld [tilespmem:s31+$0xFFFFFF90]  }
0x47: {  	v0 =	vmax.f32 v0, v1;
	v1 =	vand.u32 $0x7FFFFFFF, v8;
	v4 =	vld [tilespmem:s31+$0xFFFFFFA0]  }
0x48: {  	v0 =	vmax.f32 v0, v1;
	v1 =	vand.u32 $0x7FFFFFFF, v9;
	v5 =	vld [tilespmem:s31+$0xFFFFFFB0]  }
0x49: {  	v0 =	vmax.f32 v0, v1;
	v1 =	vand.u32 $0x7FFFFFFF, v10;
	v6 =	vld [tilespmem:s31+$0xFFFFFFC0]  }
0x4a: {  	v0 =	vmax.f32 v0, v1;
	v1 =	vand.u32 $0x7FFFFFFF, v2;
	v2 =	vld [tilespmem:s31+$0xFFFFFFD0]  }
0x4b: {  	v0 =	vmax.f32 v0, v1;
	v1 =	vand.u32 $0x7FFFFFFF, v3;
	v3 =	vld [tilespmem:s31+$0xFFFFFFE0]  }
0x4c: {  	v0 =	vmax.f32 v0, v1;
	v1 =	vand.u32 $0x7FFFFFFF, v4;
	v4 =	vld [tilespmem:s31+$0xFFFFFFF0]  }
0x4d: {  	v0 =	vmax.f32 v0, v1;
	v1 =	vand.u32 $0x7FFFFFFF, v5;
	v5 =	vld [tilespmem:s31+$0x0]  }
0x4e: {  	v0 =	vmax.f32 v0, v1;
	v1 =	vand.u32 $0x7FFFFFFF, v6;
	v6 =	vld [tilespmem:s31+$0x10]  }
0x4f: {  	v7 =	vld [tilespmem:s31+$0x20];
	v0 =	vmax.f32 v0, v1;
	v1 =	vand.u32 $0x7FFFFFFF, v2  }
0x50: {  	v0 =	vmax.f32 v0, v1;
	v1 =	vand.u32 $0x7FFFFFFF, v3;
	v3 =	vld [tilespmem:s31+$0x30]  }
0x51: {  	v1 =	vmax.f32 v0, v1;
	v2 =	vand.u32 $0x7FFFFFFF, v4;
	v0 =	vld [tilespmem:s31+$0x40]  }
0x52: {  	v2 =	vmax.f32 v1, v2;
	v4 =	vand.u32 $0x7FFFFFFF, v5;
	v1 =	vld [tilespmem:s31+$0x50]  }
0x53: {  	v4 =	vmax.f32 v2, v4;
	v5 =	vand.u32 $0x7FFFFFFF, v6;
	v2 =	vld [tilespmem:s31+$0x60]  }
0x54: {  	s17 =	simm.s32 $0x0;
	s18 =	simm.s32 $0x9DC0;
	v6 =	vand.u32 $0x7FFFFFFF, v7;
	v5 =	vmax.f32 v4, v5;
	v4 =	vld [tilespmem:s31+$0x70]  }
.LBB2_5:
0x55: {  	v7 =	vld [tilespmem:s18+$0xFFFFFF80];
	s17 =	sadd.s32 $0x4, s17;
	v5 =	vmax.f32 v5, v6;
	v3 =	vand.u32 $0x7FFFFFFF, v3  }
0x56: {  	v6 =	vld [tilespmem:s18+$0xFFFFFF90];
	p1 =	slt.u32 s17, $0x26C;
	v3 =	vmax.f32 v5, v3;
	v0 =	vand.u32 $0x7FFFFFFF, v0  }
0x57: {  	v5 =	vld [tilespmem:s18+$0xFFFFFFA0];
	v0 =	vmax.f32 v3, v0;
	v1 =	vand.u32 $0x7FFFFFFF, v1  }
0x58: {  	v3 =	vld [tilespmem:s18+$0xFFFFFFB0];
	v0 =	vmax.f32 v0, v1;
	v1 =	vand.u32 $0x7FFFFFFF, v2  }
0x59: {  	v2 =	vld [tilespmem:s18+$0xFFFFFFC0];
	v0 =	vmax.f32 v0, v1;
	v1 =	vand.u32 $0x7FFFFFFF, v4  }
0x5a: {  	v4 =	vand.u32 $0x7FFFFFFF, v7;
	v7 =	vld [tilespmem:s18+$0xFFFFFFD0];
	v0 =	vmax.f32 v0, v1  }
0x5b: {  	v0 =	vmax.f32 v0, v4;
	v1 =	vand.u32 $0x7FFFFFFF, v6;
	v4 =	vld [tilespmem:s18+$0xFFFFFFE0]  }
0x5c: {  	v0 =	vmax.f32 v0, v1;
	v1 =	vand.u32 $0x7FFFFFFF, v5;
	v5 =	vld [tilespmem:s18+$0xFFFFFFF0]  }
0x5d: {  	v0 =	vmax.f32 v0, v1;
	v1 =	vand.u32 $0x7FFFFFFF, v3;
	v6 =	vld [tilespmem:s18+$0x0]  }
0x5e: {  	v0 =	vmax.f32 v0, v1;
	v1 =	vand.u32 $0x7FFFFFFF, v2;
	v2 =	vld [tilespmem:s18+$0x10]  }
0x5f: {  	v0 =	vmax.f32 v0, v1;
	v1 =	vand.u32 $0x7FFFFFFF, v7;
	v7 =	vld [tilespmem:s18+$0x20]  }
.Ltmp3:
0x60: {  	v0 =	vmax.f32 v0, v1;
	v1 =	vand.u32 $0x7FFFFFFF, v4;
	v3 =	vld [tilespmem:s18+$0x30];
	(pc) =	sbr.rel @p1 .LBB2_5-.Ltmp3, $4  }
0x61: {  	v1 =	vmax.f32 v0, v1;
	v4 =	vand.u32 $0x7FFFFFFF, v5;
	v0 =	vld [tilespmem:s18+$0x40]  }
0x62: {  	v4 =	vmax.f32 v1, v4;
	v5 =	vand.u32 $0x7FFFFFFF, v6;
	v1 =	vld [tilespmem:s18+$0x50]  }
0x63: {  	v4 =	vmax.f32 v4, v5;
	v5 =	vand.u32 $0x7FFFFFFF, v2;
	v2 =	vld [tilespmem:s18+$0x60]  }
0x64: {  	v5 =	vmax.f32 v4, v5;
	v6 =	vand.u32 $0x7FFFFFFF, v7;
	v4 =	vld [tilespmem:s18+$0x70];
	s18 =	sadd.s32 $0x100, s18  }
0x65: {  	v5 =	vmax.f32 v5, v6;
	v3 =	vand.u32 $0x7FFFFFFF, v3;
	v62 =	vld [tilespmem:$0x13840]  }
0x66: {  	v63 =	vld [tilespmem:$0x13850];
	v3 =	vmax.f32 v5, v3;
	v0 =	vand.u32 $0x7FFFFFFF, v0  }
0x67: {  	v0 =	vmax.f32 v3, v0;
	v1 =	vand.u32 $0x7FFFFFFF, v1;
	v3 =	vld [tilespmem:$0x13860]  }
0x68: {  	v0 =	vmax.f32 v0, v1;
	v1 =	vand.u32 $0x7FFFFFFF, v2;
	v2 =	vld [tilespmem:$0x13870]  }
0x69: {  	v0 =	vmax.f32 v0, v1;
	v1 =	vand.u32 $0x7FFFFFFF, v4  }
.Ltmp4:
0x6a: {  	v0 =	vmax.f32 v0, v1;
	v1 =	vand.u32 $0x7FFFFFFF, v62;
	(pc) =	sbr.rel @p0 .LBB2_8-.Ltmp4, $4  }
0x6b: {  	v0 =	vmax.f32 v0, v1;
	v1 =	vand.u32 $0x7FFFFFFF, v63  }
0x6c: {  	v0 =	vmax.f32 v0, v1;
	v1 =	vand.u32 $0x7FFFFFFF, v3  }
0x6d: {  	v0 =	vmax.f32 v0, v1;
	v1 =	vand.u32 $0x7FFFFFFF, v2  }
0x6e: {  	v0 =	vmax.f32 v0, v1  }
0x6f: {  	s17 =	smul.u32 $0x4E2, s16;
	_ =	sdelay $0x1  }
.Ltmp5:
0x70: {  	s17 =	sadd.s32 s17, s7;
	(pc) =	sbr.rel .LBB2_2-.Ltmp5, $4  }
0x71: {  	s17 =	sshll.u32 s17, $0x3  }
0x72: {  	s17 =	sand.u32 $0x1FFFFFF8, s17  }
0x73: {  	s16 =	sadd.s32 $0x1, s16;
	s17 =	sadd.s32 s3, s17  }
0x74: {  	[tilespmem:s10], [sflag:$0x2] =	stream.linear.gather [hbm4b:s17+s2], $0x9C40, $0x38;
	[tilespmem:$0x13890] =	vst v63  }
.LBB2_9:
0x75: {  	_ =	sfence.sel $0x180000  }
0x76: {  	[bflag:$0x0] =	sbarrier.arrive $0xFFFF  }
0x77: {  	p0 =	sne.s32 s1, $0x0;
	_ =	strace $0x90000047  }
0x78: {  	s0 =	sadd.s32 @!p0 $0x100000, s0;
	[bflag:$0x2] =	sbarrier.arrive $0xFFFF  }
0x79: {  	[sflag:s0] =	ssyncadd.tile.s32 @!p0 $0x1;
	_ =	shalt  }
.Lfunc_end2:
_tile_overlayer_lowered:
.L_overlay_start_2:
0x7a: {  	(tag) =	ssettag $0x2  }
0x7b: {  	s0 =	rddreg [dreg:$0x0];
	s2 =	stileid.u32  }
0x7c: {  	s1 =	rddreg [dreg:$0x1];
	p0 =	sne.s32 s2, $0x0  }
0x7d: {  	s3 =	rddreg [dreg:$0x2];
	[bflag:$0x3] =	sbarrier.arrive $0xFFFF;
	s2 =	simm.s32 @!p0 $0x1C03  }
0x7e: {  	[timem:s3], [sflag:s2] =	dma.local @!p0 [hbm:s0], s1  }
0x7f: {  	s0 =	simm.s32 @!p0 $0x3  }
0x80: {  	_ =	swait.ge @!p0 [sflag:s0], s1  }
0x81: {  	s1 =	ssub.s32 @!p0 $0x0, s1;
	[sflag:s0] =	ssyncset.done @!p0 $0x0  }
0x82: {  	[sflag:s0] =	ssyncadd.s32 @!p0 s1  }
0x83: {  	[bflag:$0x3] =	sbarrier.arrive $0xFFFF  }
0x84: {  	_ =	shalt  }

// kernel: kernel.7.cloned.1.call-start
scs
__scs_entry_jumppad:
0x0: {  	(pc) =	sbr.rel $0x88, $3  }
0x1: {  	(tag) =	ssettag $0x0;
	lr =	simm.s32 $0x1  }
0x2: {  	[smem:$0x3F9F] =	sst lr;
	_ =	strace $0xD0000000  }
0x3: {  	_ = 	snop  }
0x4: {  	_ = 	snop  }
0x5: {  	_ = 	snop  }
0x6: {  	_ = 	snop  }
0x7: {  	_ = 	snop  }
__scs_overlays_trampoline_lowered:
0x8: {  	[smem:$0x3FAE] =	sst s0  }
0x9: {  	[smem:$0x3FAF] =	sst s1  }
0xa: {  	[smem:$0x3FB0] =	sst s2  }
0xb: {  	[smem:$0x3FB1] =	sst s3  }
0xc: {  	[smem:$0x3FB2] =	sst s4  }
0xd: {  	[smem:$0x3FB3] =	sst s5  }
0xe: {  	[smem:$0x3FB4] =	sst s6  }
0xf: {  	[smem:$0x3FB5] =	sst s7  }
0x10: {  	[smem:$0x3FB6] =	sst s8  }
0x11: {  	[smem:$0x3FB7] =	sst s9;
	s0 =	simm.s32 @!p0 $0x0  }
0x12: {  	s1 =	sld [smem:$0x3F9D];
	s0 =	simm.s32 @p0 $0x1  }
0x13: {  	[smem:$0x3FB8] =	sst s0;
	s0 =	simm.s32 @!p1 $0x0  }
0x14: {  	s2 =	sld [smem:$0x3F9C];
	s0 =	simm.s32 @p1 $0x1  }
0x15: {  	[smem:$0x3FB9] =	sst s0;
	s0 =	simm.s32 @!p2 $0x0  }
0x16: {  	s3 =	sld [smem:$0x3FDB];
	s0 =	simm.s32 @p2 $0x1  }
0x17: {  	s4 =	simm.s32 $0x1BF5;
	[smem:$0x3FBB] =	sst s0  }
0x18: {  	s0 =	sld [smem:$0x3F9E];
	_ =	swait.ge [sflag:s4], $0x0  }
0x19: {  	s7 =	sld [smem:$0x3F9F]  }
0x1a: {  	s8 =	sadd.s32 $0xFFFFE003, lr  }
0x1b: {  	s9 =	sadd.s32 $0xFFFFFEF7, lr;
	s5 =	simm.s32 $0xFFFFFFFF;
	p2 =	slt.u32 s8, $0xFFFFF086  }
0x1c: {  	p1 =	slt.u32 s9, $0xF7A;
	s5 =	simm.s32 @!p2 $0x0  }
0x1d: {  	s5 =	simm.s32 @p1 $0x1;
	p0 =	seq.s32 s7, s2  }
0x1e: {  	s7 =	smul.u32 @!p0 $0xF7A, s2;
	p2 =	seq.s32 @!p0 s5, $0x0  }
0x1f: {  	s9 =	smul.u32 $0xF7A, s1;
	s8 =	simm.s32 @!p0 $0x1BF5;
	p2 =	por !p2, p0  }
0x20: {  	[sflag:s8] =	ssyncset.s32 @!p0 $0xFFFFF086;
	s6 =	sadd.s32 @!p0 s3, s7;
	s7 =	simm.s32 @!p0 $0x108  }
0x21: {  	s3 =	sadd.s32 s3, s9;
	s6 =	sadd.s32 @!p0 $0x88, s6;
	s7 =	simm.s32 @p2 $0x1082  }
0x22: {  	[simem:s7], [sflag:s8] =	dma.local @!p0 [hbm:s6], $0xF7A  }
0x23: {  	s9 =	sor.u32 $0xD0000000, s2;
	s6 =	simm.s32 $0x108;
	_ =	swait.ge @!p0 [sflag:s8], $0x0  }
0x24: {  	s3 =	sadd.s32 $0x88, s3;
	s6 =	simm.s32 @!p1 $0x1082;
	[sflag:s4] =	ssyncset.s32 $0xFFFFF086  }
0x25: {  	[simem:s6], [sflag:s4] =	dma.local [hbm:s3], $0xF7A  }
0x26: {  	[smem:$0x3F9F] =	sst s1;
	(tag) =	ssettag s2;
	_ =	strace s9  }
0x27: {  	s1 =	sld [smem:$0x3FAF]  }
0x28: {  	s2 =	sld [smem:$0x3FB0]  }
0x29: {  	s4 =	sld [smem:$0x3FB2]  }
0x2a: {  	p0 =	seq.s32 s5, $0x0;
	s5 =	sld [smem:$0x3FB3]  }
0x2b: {  	s6 =	sld [smem:$0x3FB4]  }
0x2c: {  	s7 =	sld [smem:$0x3FB5]  }
0x2d: {  	s3 =	simm.s32 $0x108;
	s8 =	sld [smem:$0x3FB6]  }
0x2e: {  	s3 =	simm.s32 @!p0 $0x1082;
	s9 =	sld [smem:$0x3FB7]  }
0x2f: {  	lr =	sadd.s32 s0, s3;
	s0 =	sld [smem:$0x3FAE]  }
0x30: {  	s3 =	sld [smem:$0x3FB1]  }
0x31: {  	[smem:$0x3FBA] =	sst s10  }
0x32: {  	s10 =	sld [smem:$0x3FB8];
	_ =	sdelay $0x3  }
0x33: {  	p0 =	seq.s32 s10, $0x1;
	s10 =	sld [smem:$0x3FBA];
	_ =	sdelay $0x3  }
0x34: {  	[smem:$0x3FBA] =	sst s10  }
0x35: {  	s10 =	sld [smem:$0x3FB9];
	_ =	sdelay $0x3  }
0x36: {  	p1 =	seq.s32 s10, $0x1;
	s10 =	sld [smem:$0x3FBA];
	_ =	sdelay $0x3  }
0x37: {  	[smem:$0x3FBA] =	sst s10  }
0x38: {  	s10 =	sld [smem:$0x3FBB]  }
0x39: {  	_ = 	snop;
	(pc) =	sbr.ind lr, $3  }
0x3a: {  	_ = 	snop  }
0x3b: {  	_ = 	snop  }
0x3c: {  	p2 =	seq.s32 s10, $0x1;
	s10 =	sld [smem:$0x3FBA]  }
0x3d: {  	_ =	shalt  }
0x3e: {  	_ =	shalt  }
0x3f: {  	_ =	shalt  }
0x40: {  	_ =	shalt  }
0x41: {  	_ =	shalt  }
0x42: {  	_ =	shalt  }
0x43: {  	_ =	shalt  }
0x44: {  	_ =	shalt  }
0x45: {  	_ =	shalt  }
0x46: {  	_ =	shalt  }
0x47: {  	_ =	shalt  }
0x48: {  	_ =	shalt  }
0x49: {  	_ =	shalt  }
0x4a: {  	_ =	shalt  }
0x4b: {  	_ =	shalt  }
0x4c: {  	_ =	shalt  }
0x4d: {  	_ =	shalt  }
0x4e: {  	_ =	shalt  }
0x4f: {  	_ =	shalt  }
0x50: {  	_ =	shalt  }
0x51: {  	_ =	shalt  }
0x52: {  	_ =	shalt  }
0x53: {  	_ =	shalt  }
0x54: {  	_ =	shalt  }
0x55: {  	_ =	shalt  }
0x56: {  	_ =	shalt  }
0x57: {  	_ =	shalt  }
0x58: {  	_ =	shalt  }
0x59: {  	_ =	shalt  }
0x5a: {  	_ =	shalt  }
0x5b: {  	_ =	shalt  }
0x5c: {  	_ =	shalt  }
0x5d: {  	_ =	shalt  }
0x5e: {  	_ =	shalt  }
0x5f: {  	_ =	shalt  }
0x60: {  	_ =	shalt  }
0x61: {  	_ =	shalt  }
0x62: {  	_ =	shalt  }
0x63: {  	_ =	shalt  }
0x64: {  	_ =	shalt  }
0x65: {  	_ =	shalt  }
0x66: {  	_ =	shalt  }
0x67: {  	_ =	shalt  }
0x68: {  	_ =	shalt  }
0x69: {  	_ =	shalt  }
0x6a: {  	_ =	shalt  }
0x6b: {  	_ =	shalt  }
0x6c: {  	_ =	shalt  }
0x6d: {  	_ =	shalt  }
0x6e: {  	_ =	shalt  }
0x6f: {  	_ =	shalt  }
0x70: {  	_ =	shalt  }
0x71: {  	_ =	shalt  }
0x72: {  	_ =	shalt  }
0x73: {  	_ =	shalt  }
0x74: {  	_ =	shalt  }
0x75: {  	_ =	shalt  }
0x76: {  	_ =	shalt  }
0x77: {  	_ =	shalt  }
0x78: {  	_ =	shalt  }
0x79: {  	_ =	shalt  }
0x7a: {  	_ =	shalt  }
0x7b: {  	_ =	shalt  }
0x7c: {  	_ =	shalt  }
0x7d: {  	_ =	shalt  }
0x7e: {  	_ =	shalt  }
0x7f: {  	_ =	shalt  }
0x80: {  	_ =	shalt  }
0x81: {  	_ =	shalt  }
0x82: {  	_ =	shalt  }
0x83: {  	_ =	shalt  }
0x84: {  	_ =	shalt  }
0x85: {  	_ =	shalt  }
0x86: {  	_ =	shalt  }
0x87: {  	_ =	shalt  }
.Lfunc_end0:
.L_simem_size_0:
called_computation.2_lowered:
.L_overlay_start_0:
0x88: {  	s2 =	sld [smem:$0x3FD9]  }
0x89: {  	s3 =	sld [smem:$0x3FFE];
	_ =	sdelay $0x1  }
0x8a: {  	s1 =	srdreg.scid  }
0x8b: {  	s0 =	sand.u32 $0x1, s1  }
0x8c: {  	s17 =	sshll.u32 s0, $0xA;
	s2 =	sadd.s32 s3, s2  }
0x8d: {  	s2 =	sadd.s32 s2, s17  }
0x8e: {  	[smem:$0x3FC6] =	sst s2  }
0x8f: {  	_ = 	snop  }
0x90: {  	s2 =	sld [smem:$0x3FD0];
	(tm) =	ssettm $0x1  }
0x91: {  	s18 =	sld [smem:$0x3FFB];
	_ =	sdelay $0x3  }
0x92: {  	_ =	strace s18  }
0x93: {  	s3 =	sld [smem:$0x3FFC];
	_ =	sdelay $0x3  }
0x94: {  	_ =	strace s3  }
0x95: {  	s3 =	sld [smem:$0x3FFD];
	_ =	sdelay $0x3  }
0x96: {  	_ =	strace s3  }
0x97: {  	_ =	strace $0x8FFFFFFF  }
0x98: {  	s19 =	sld [smem:$0x3FDB];
	_ =	sdelay $0x1  }
0x99: {  	s4 =	simm.s32 $_scs_section_size  }
0x9a: {  	s5 =	simm.s32 $_size__tile_overlayer_lowered;
	s6 =	simm.s32 $_tile_overlayer_lowered  }
0x9b: {  	s22 =	simm.s32 $0x1BFF;
	s21 =	sshll.u32 s6, $0x1;
	s3 =	sadd.s32 s4, s19  }
0x9c: {  	s7 =	simm.s32 $0x0;
	s20 =	sshll.u32 s5, $0x1;
	s5 =	sadd.s32 s21, s3  }
0x9d: {  	[timem:s7], [sflag:s22] =	dma.local [hbm:s5], s20  }
0x9e: {  	_ =	swait.ge [sflag:s22], s20  }
0x9f: {  	s4 =	ssub.s32 $0x0, s20;
	[sflag:s22] =	ssyncset.done $0x0  }
0xa0: {  	[sflag:s22] =	ssyncadd.s32 s4;
	_ =	sdelay $0x1  }
0xa1: {  	s23 =	simm.s32 $0x1B8B  }
0xa2: {  	_ =	swait.ge [sflag:s23], $0x1  }
0xa3: {  	[sflag:s23] =	ssyncset.done $0x0  }
0xa4: {  	s25 =	simm.s32 $0x1B8E;
	s24 =	sld [smem:$0x3FFE];
	[sflag:s23] =	ssyncadd.s32 $0xFFFFFFFF  }
0xa5: {  	s26 =	simm.s32 $execute0_lowered;
	[smem:$0x3FD2] =	sst s25  }
0xa6: {  	s5 =	sshll.u32 s26, $0x1;
	_ =	strace $0x80000049;
	[dreg:$0x1] =	wrdreg $0xFFFFFFFF  }
0xa7: {  	s28 =	simm.s32 $_size_execute0_lowered;
	s3 =	sadd.s32 s3, s5;
	[dreg:$0x0] =	wrdreg $0x0  }
0xa8: {  	s5 =	sshll.u32 s28, $0x1;
	[dreg:$0x2] =	wrdreg s3  }
0xa9: {  	[dreg:$0x3] =	wrdreg s5  }
0xaa: {  	[dreg:$0x4] =	wrdreg $0xC0  }
0xab: {  	_ =	task [dreg:s7], $0x5FFFF  }
0xac: {  	[dreg:$0x1] =	wrdreg $0xFFFFFFFF  }
0xad: {  	[dreg:$0x0] =	wrdreg $0x60  }
0xae: {  	[dreg:$0x2] =	wrdreg s24  }
0xaf: {  	[dreg:$0x3] =	wrdreg s2  }
0xb0: {  	[dreg:$0x4] =	wrdreg $0x9  }
0xb1: {  	_ =	task.clear_ibuf [dreg:s7], $0x5FFFF;
	_ =	strace $0x90000049  }
0xb2: {  	s29 =	simm.s32 $0x9;
	_ =	strace $0x8000004B  }
0xb3: {  	_ =	swait.ge [sflag:s29], $0x1  }
0xb4: {  	[sflag:s29] =	ssyncadd.s32 $0xFFFFFFFF  }
0xb5: {  	_ =	strace $0x9000004B  }
0xb6: {  	_ =	sfence  }
0xb7: {  	s30 =	sld [smem:$0x0];
	_ =	sdelay $0x2  }
0xb8: {  	s31 =	sshll.u32 s1, $0xD;
	s1 =	sshrl.u32 s1, $0x2  }
0xb9: {  	s3 =	sand.u32 $0x4000, s31;
	s1 =	sadd.s32 s1, s30  }
0xba: {  	s0 =	sor.u32 s3, s0;
	s1 =	sshll.u32 s1, $0x11  }
0xbb: {  	s0 =	sor.u32 s1, s0  }
0xbc: {  	s0 =	sadd.s32 $0x8F2B, s0  }
0xbd: {  	[sflag:s0] =	ssyncadd.remote.s32 $0x1  }
0xbe: {  	_ =	sfence.sel $0xFFFF  }
0xbf: {  	[dreg:$0x0] =	wrdreg $0xFFFFFFFF;
	(pc) =	sbr.abs _section_cstart, $3  }
0xc0: {  	[dreg:$0x1] =	wrdreg $0xFFFFFFFF  }
0xc1: {  	_ =	task.clear_ibuf [dreg:s7], $0x2FFFF;
	_ =	strace $0x9FFFFFFF  }
0xc2: {  	(tm) =	ssettm $0x7FFFFFFF  }
0xc3: {  	_ =	shalt  }
tec
execute0_lowered:
.L_overlay_start_1:
0x0: {  	(tag) =	ssettag $0x1  }
0x1: {  	s5 =	rddreg [dreg:$0x0];
	s1 =	srdreg.scid  }
0x2: {  	s0 =	stileid.u32;
	s2 =	rddreg [dreg:$0x1]  }
0x3: {  	s3 =	simm.s32 $0x0;
	s11 =	simm.s32 $0x1900;
	s12 =	simm.s32 $0x80  }
0x4: {  	s13 =	simm.s32 $0x1910;
	s14 =	simm.s32 $0x3910;
	s15 =	simm.s32 $0x1  }
0x5: {  	s16 =	simm.s32 $0x5910;
	s17 =	simm.s32 $0x2;
	s18 =	simm.s32 $0x4  }
0x6: {  	s19 =	simm.s32 $0x7910;
	s4 =	sand.u32 $0x1, s1;
	s6 =	sshll.u32 s0, $0x1  }
0x7: {  	s20 =	simm.s32 $0x3;
	s1 =	rddreg [dreg:$0x2];
	s7 =	sor.u32 s4, s6  }
0x8: {  	s21 =	simm.s32 $0x0;
	[smem:$0x7FF] =	sst s3;
	s6 =	smul.u32 $0x320, s7  }
.Ltmp0:
0x9: {  	_ =	strace $0x8000004A;
	s8 =	ssub.s32 $0x2, s4;
	(pc) =	sbr.rel .LBB2_1-.Ltmp0, $4  }
0xa: {  	s4 =	sadd.s32 $0xF42E00, s5;
	s9 =	smul.u32 $0xC800, s7;
	s10 =	sshrl.u32 s8, $0x1  }
0xb: {  	s7 =	smul.u32 $0x64000, s7;
	s8 =	ssub.s32 s8, s10;
	s10 =	simm.s32 $0x5  }
0xc: {  	s6 =	sadd.s32 s6, s5;
	s5 =	sadd.s32 $0x6E00, s5;
	s9 =	sadd.s32 s9, s2  }
0xd: {  	s8 =	smax.u32 s8, $0x1;
	s6 =	sadd.s32 $0xA00, s6;
	s9 =	sadd.s32 $0x400, s9  }
.LBB2_12:
0xe: {  	s21 =	sadd.s32 $0x1, s21  }
0xf: {  	_ =	swait.ge [sflag:s20], $0x2000;
	p0 =	sne.s32 s21, s8  }
.Ltmp1:
0x10: {  	[sflag:s20] =	ssyncset.done $0x0;
	(pc) =	sbr.rel @!p0 .LBB2_13-.Ltmp1, $4  }
0x11: {  	[sflag:s20] =	ssyncadd.s32 $0xFFFFE000  }
0x12: {  	_ =	swait.ge [sflag:s18], $0x2000  }
0x13: {  	[sflag:s18] =	ssyncset.done $0x0  }
0x14: {  	[sflag:s18] =	ssyncadd.s32 $0xFFFFE000  }
.LBB2_1:
0x15: {  	[tilespmem:s3], [sflag:$0x5] =	stream.linear.gather [hbm4b:s6+s3], $0x1900, $0x38;
	[tilespmem:$0x9910] =	vst v63  }
0x16: {  	_ =	swait.ge [sflag:s10], $0x1900  }
0x17: {  	[sflag:s10] =	ssyncset.done $0x0  }
0x18: {  	[sflag:s10] =	ssyncadd.s32 $0xFFFFE700  }
0x19: {  	[tilespmem:s11], [sflag:$0x5] =	stream.linear.gather [hbm4b:s5+s3], $0x10, $0x38;
	[tilespmem:$0x9910] =	vst v63  }
0x1a: {  	_ =	swait.ge [sflag:s10], $0x10  }
0x1b: {  	[sflag:s10] =	ssyncset.done $0x0  }
0x1c: {  	[sflag:s10] =	ssyncadd.s32 $0xFFFFFFF0  }
0x1d: {  	v0 =	vld [tilespmem:$0x1900];
	_ =	sdelay $0x2  }
0x1e: {  	[tilespmem:s13], [sflag:$0x1] =	stream.indirect.gather [hbm4b:s4+s12], $0x40, s3, s12, $0xb8;
	[tilespmem:$0x9910] =	vst v63  }
0x1f: {  	s22 =	simm.s32 $0x0  }
0x20: {  	[tilespmem:s14], [sflag:$0x2] =	stream.indirect.gather [hbm4b:s4+s12], $0x40, s12, s12, $0xb8;
	v1 =	vsub.f32 $0.0e+00, v0;
	v2 =	vmul.f32 $5.960464480e-08, v0;
	[tilespmem:$0x9910] =	vst v63  }
.LBB2_2:
0x21: {  	_ =	swait.ge [sflag:s15], $0x2000  }
0x22: {  	p0 =	seq.s32 s22, $0x0;
	[sflag:s15] =	ssyncset.done $0x0  }
0x23: {  	s23 =	simm.s32 @!p0 $0x3;
	[sflag:s15] =	ssyncadd.s32 $0xFFFFE000  }
0x24: {  	_ =	swait.ge @!p0 [sflag:s23], $0x2000  }
0x25: {  	[sflag:s23] =	ssyncset.done @!p0 $0x0  }
0x26: {  	s24 =	simm.s32 $0x1990;
	[sflag:s23] =	ssyncadd.s32 @!p0 $0xFFFFE000  }
0x27: {  	v3 =	vld [tilespmem:s24+$0xFFFFFF80];
	_ =	sdelay $0x4  }
0x28: {  	vm0 =	vgt.f32 v3, v2  }
0x29: {  	s23 =	simm.s32 $0x5990;
	v3 =	vsel vm0, v0, v1  }
0x2a: {  	[tilespmem:s23+$0xFFFFFF80] =	vst v3  }
0x2b: {  	v3 =	vld [tilespmem:s24+$0xFFFFFF90];
	_ =	sdelay $0x4  }
0x2c: {  	vm13 =	vgt.f32 v3, v2  }
0x2d: {  	v3 =	vsel vm13, v0, v1  }
0x2e: {  	[tilespmem:s23+$0xFFFFFF90] =	vst v3  }
0x2f: {  	v3 =	vld [tilespmem:s24+$0xFFFFFFA0];
	_ =	sdelay $0x4  }
0x30: {  	vm14 =	vgt.f32 v3, v2  }
0x31: {  	v3 =	vsel vm14, v0, v1  }
0x32: {  	[tilespmem:s23+$0xFFFFFFA0] =	vst v3  }
0x33: {  	v3 =	vld [tilespmem:s24+$0xFFFFFFB0];
	_ =	sdelay $0x4  }
0x34: {  	vm15 =	vgt.f32 v3, v2  }
0x35: {  	v3 =	vsel vm15, v0, v1  }
0x36: {  	[tilespmem:s23+$0xFFFFFFB0] =	vst v3  }
0x37: {  	v3 =	vld [tilespmem:s24+$0xFFFFFFC0];
	_ =	sdelay $0x4  }
0x38: {  	vm4 =	vgt.f32 v3, v2  }
0x39: {  	v3 =	vsel vm4, v0, v1  }
0x3a: {  	[tilespmem:s23+$0xFFFFFFC0] =	vst v3  }
0x3b: {  	v3 =	vld [tilespmem:s24+$0xFFFFFFD0];
	_ =	sdelay $0x4  }
0x3c: {  	vm5 =	vgt.f32 v3, v2  }
0x3d: {  	v3 =	vsel vm5, v0, v1  }
0x3e: {  	[tilespmem:s23+$0xFFFFFFD0] =	vst v3  }
0x3f: {  	v3 =	vld [tilespmem:s24+$0xFFFFFFE0];
	_ =	sdelay $0x4  }
0x40: {  	vm6 =	vgt.f32 v3, v2  }
0x41: {  	v3 =	vsel vm6, v0, v1  }
0x42: {  	[tilespmem:s23+$0xFFFFFFE0] =	vst v3  }
0x43: {  	v3 =	vld [tilespmem:s24+$0xFFFFFFF0];
	_ =	sdelay $0x4  }
0x44: {  	vm7 =	vgt.f32 v3, v2  }
0x45: {  	v3 =	vsel vm7, v0, v1  }
0x46: {  	[tilespmem:s23+$0xFFFFFFF0] =	vst v3  }
0x47: {  	v3 =	vld [tilespmem:s24+$0x0];
	_ =	sdelay $0x4  }
0x48: {  	vm8 =	vgt.f32 v3, v2  }
0x49: {  	v3 =	vsel vm8, v0, v1  }
0x4a: {  	[tilespmem:s23+$0x0] =	vst v3  }
0x4b: {  	v3 =	vld [tilespmem:s24+$0x10];
	_ =	sdelay $0x4  }
0x4c: {  	vm9 =	vgt.f32 v3, v2  }
0x4d: {  	v3 =	vsel vm9, v0, v1  }
0x4e: {  	[tilespmem:s23+$0x10] =	vst v3  }
0x4f: {  	v3 =	vld [tilespmem:s24+$0x20];
	_ =	sdelay $0x4  }
0x50: {  	vm10 =	vgt.f32 v3, v2  }
0x51: {  	v3 =	vsel vm10, v0, v1  }
0x52: {  	[tilespmem:s23+$0x20] =	vst v3  }
0x53: {  	v3 =	vld [tilespmem:s24+$0x30];
	_ =	sdelay $0x4  }
0x54: {  	vm11 =	vgt.f32 v3, v2  }
0x55: {  	v3 =	vsel vm11, v0, v1  }
0x56: {  	[tilespmem:s23+$0x30] =	vst v3  }
0x57: {  	v3 =	vld [tilespmem:s24+$0x40];
	_ =	sdelay $0x4  }
0x58: {  	vm12 =	vgt.f32 v3, v2  }
0x59: {  	v3 =	vsel vm12, v0, v1  }
0x5a: {  	[tilespmem:s23+$0x40] =	vst v3  }
0x5b: {  	v3 =	vld [tilespmem:s24+$0x50];
	_ =	sdelay $0x4  }
0x5c: {  	vm13 =	vgt.f32 v3, v2  }
0x5d: {  	v3 =	vsel vm13, v0, v1  }
0x5e: {  	[tilespmem:s23+$0x50] =	vst v3  }
0x5f: {  	v3 =	vld [tilespmem:s24+$0x60];
	_ =	sdelay $0x4  }
0x60: {  	vm14 =	vgt.f32 v3, v2  }
0x61: {  	v3 =	vsel vm14, v0, v1  }
0x62: {  	[tilespmem:s23+$0x60] =	vst v3  }
0x63: {  	v3 =	vld [tilespmem:s24+$0x70];
	_ =	sdelay $0x4  }
0x64: {  	vm15 =	vgt.f32 v3, v2  }
0x65: {  	v3 =	vsel vm15, v0, v1  }
0x66: {  	s25 =	simm.s32 $0x1A90;
	s24 =	simm.s32 $0x0;
	[tilespmem:s23+$0x70] =	vst v3  }
.LBB2_3:
0x67: {  	v3 =	vld [tilespmem:s25+$0xFFFFFF80];
	s24 =	sadd.s32 $0x4, s24  }
0x68: {  	p1 =	slt.u32 s24, $0x7C;
	_ =	sdelay $0x3  }
0x69: {  	vm0 =	vgt.f32 v3, v2  }
0x6a: {  	s23 =	sadd.s32 $0x100, s23;
	v3 =	vsel vm0, v0, v1  }
0x6b: {  	[tilespmem:s23+$0xFFFFFF80] =	vst v3  }
0x6c: {  	v3 =	vld [tilespmem:s25+$0xFFFFFF90];
	_ =	sdelay $0x4  }
0x6d: {  	vm0 =	vgt.f32 v3, v2  }
0x6e: {  	v3 =	vsel vm0, v0, v1  }
0x6f: {  	[tilespmem:s23+$0xFFFFFF90] =	vst v3  }
0x70: {  	v3 =	vld [tilespmem:s25+$0xFFFFFFA0];
	_ =	sdelay $0x4  }
0x71: {  	vm0 =	vgt.f32 v3, v2  }
0x72: {  	v3 =	vsel vm0, v0, v1  }
0x73: {  	[tilespmem:s23+$0xFFFFFFA0] =	vst v3  }
0x74: {  	v3 =	vld [tilespmem:s25+$0xFFFFFFB0];
	_ =	sdelay $0x4  }
0x75: {  	vm0 =	vgt.f32 v3, v2  }
0x76: {  	v3 =	vsel vm0, v0, v1  }
0x77: {  	[tilespmem:s23+$0xFFFFFFB0] =	vst v3  }
0x78: {  	v3 =	vld [tilespmem:s25+$0xFFFFFFC0];
	_ =	sdelay $0x4  }
0x79: {  	vm0 =	vgt.f32 v3, v2  }
0x7a: {  	v3 =	vsel vm0, v0, v1  }
0x7b: {  	[tilespmem:s23+$0xFFFFFFC0] =	vst v3  }
0x7c: {  	v3 =	vld [tilespmem:s25+$0xFFFFFFD0];
	_ =	sdelay $0x4  }
0x7d: {  	vm0 =	vgt.f32 v3, v2  }
0x7e: {  	v3 =	vsel vm0, v0, v1  }
0x7f: {  	[tilespmem:s23+$0xFFFFFFD0] =	vst v3  }
0x80: {  	v3 =	vld [tilespmem:s25+$0xFFFFFFE0];
	_ =	sdelay $0x4  }
0x81: {  	vm0 =	vgt.f32 v3, v2  }
0x82: {  	v3 =	vsel vm0, v0, v1  }
0x83: {  	[tilespmem:s23+$0xFFFFFFE0] =	vst v3  }
0x84: {  	v3 =	vld [tilespmem:s25+$0xFFFFFFF0];
	_ =	sdelay $0x4  }
0x85: {  	vm0 =	vgt.f32 v3, v2  }
0x86: {  	v3 =	vsel vm0, v0, v1  }
0x87: {  	[tilespmem:s23+$0xFFFFFFF0] =	vst v3  }
0x88: {  	v3 =	vld [tilespmem:s25+$0x0];
	_ =	sdelay $0x4  }
0x89: {  	vm0 =	vgt.f32 v3, v2  }
0x8a: {  	v3 =	vsel vm0, v0, v1  }
0x8b: {  	[tilespmem:s23+$0x0] =	vst v3  }
0x8c: {  	v3 =	vld [tilespmem:s25+$0x10];
	_ =	sdelay $0x4  }
0x8d: {  	vm0 =	vgt.f32 v3, v2  }
0x8e: {  	v3 =	vsel vm0, v0, v1  }
0x8f: {  	[tilespmem:s23+$0x10] =	vst v3  }
0x90: {  	v3 =	vld [tilespmem:s25+$0x20];
	_ =	sdelay $0x4  }
0x91: {  	vm0 =	vgt.f32 v3, v2  }
0x92: {  	v3 =	vsel vm0, v0, v1  }
0x93: {  	[tilespmem:s23+$0x20] =	vst v3  }
0x94: {  	v3 =	vld [tilespmem:s25+$0x30];
	_ =	sdelay $0x4  }
0x95: {  	vm0 =	vgt.f32 v3, v2  }
0x96: {  	v3 =	vsel vm0, v0, v1  }
0x97: {  	[tilespmem:s23+$0x30] =	vst v3  }
0x98: {  	v3 =	vld [tilespmem:s25+$0x40];
	_ =	sdelay $0x4  }
0x99: {  	vm0 =	vgt.f32 v3, v2  }
0x9a: {  	v3 =	vsel vm0, v0, v1  }
0x9b: {  	[tilespmem:s23+$0x40] =	vst v3  }
0x9c: {  	v3 =	vld [tilespmem:s25+$0x50];
	_ =	sdelay $0x4  }
0x9d: {  	vm0 =	vgt.f32 v3, v2  }
0x9e: {  	v3 =	vsel vm0, v0, v1  }
0x9f: {  	[tilespmem:s23+$0x50] =	vst v3  }
0xa0: {  	v3 =	vld [tilespmem:s25+$0x60];
	_ =	sdelay $0x4  }
0xa1: {  	vm0 =	vgt.f32 v3, v2  }
0xa2: {  	v3 =	vsel vm0, v0, v1  }
0xa3: {  	[tilespmem:s23+$0x60] =	vst v3  }
0xa4: {  	v3 =	vld [tilespmem:s25+$0x70];
	_ =	sdelay $0x2  }
.Ltmp2:
0xa5: {  	(pc) =	sbr.rel @p1 .LBB2_3-.Ltmp2, $4  }
0xa6: {  	_ = 	snop  }
0xa7: {  	vm0 =	vgt.f32 v3, v2  }
0xa8: {  	v3 =	vsel vm0, v0, v1  }
0xa9: {  	s25 =	sadd.s32 $0x100, s25;
	[tilespmem:s23+$0x70] =	vst v3  }
0xaa: {  	p1 =	sne.s32 s22, $0x18  }
.Ltmp3:
0xab: {  	s23 =	sshll.u32 s22, $0xE;
	(pc) =	sbr.rel @p1 .LBB2_6-.Ltmp3, $4  }
0xac: {  	s23 =	sadd.s32 s7, s23  }
0xad: {  	s23 =	sshrl.u32 s23, $0x3  }
0xae: {  	s23 =	sadd.s32 s2, s23  }
0xaf: {  	[hbm4b:s23+s3] =	stream.linear.scatter [tilespmem:s16], [sflag:$0x3], $0x2000, $0x38;
	[tilespmem:$0x9910] =	vst v63  }
.Ltmp4:
0xb0: {  	(pc) =	sbr.rel .LBB2_7-.Ltmp4, $4  }
0xb1: {  	_ = 	snop  }
0xb2: {  	_ =	swait.ge [sflag:s17], $0x2000  }
0xb3: {  	[sflag:s17] =	ssyncset.done $0x0  }
0xb4: {  	[sflag:s17] =	ssyncadd.s32 $0xFFFFE000  }
.LBB2_6:
0xb5: {  	s23 =	sshll.u32 s22, $0x8  }
0xb6: {  	s23 =	sand.u32 $0x3FFFFF00, s23  }
.Ltmp5:
0xb7: {  	s23 =	sadd.s32 $0x100, s23;
	(pc) =	sbr.rel @p0 .LBB2_8-.Ltmp5, $4  }
0xb8: {  	[tilespmem:s13], [sflag:$0x1] =	stream.indirect.gather [hbm4b:s4+s12], $0x40, s23, s12, $0xb8;
	[tilespmem:$0x9910] =	vst v63  }
0xb9: {  	_ =	swait.ge [sflag:s17], $0x2000  }
0xba: {  	[sflag:s17] =	ssyncset.done $0x0  }
0xbb: {  	[sflag:s17] =	ssyncadd.s32 $0xFFFFE000  }
.LBB2_7:
0xbc: {  	_ =	swait.ge [sflag:s18], $0x2000  }
0xbd: {  	[sflag:s18] =	ssyncset.done $0x0  }
0xbe: {  	[sflag:s18] =	ssyncadd.s32 $0xFFFFE000  }
.LBB2_8:
0xbf: {  	s24 =	simm.s32 $0x3990  }
0xc0: {  	v3 =	vld [tilespmem:s24+$0xFFFFFF80];
	_ =	sdelay $0x4  }
0xc1: {  	vm0 =	vgt.f32 v3, v2  }
0xc2: {  	s23 =	simm.s32 $0x7990;
	v3 =	vsel vm0, v0, v1  }
0xc3: {  	[tilespmem:s23+$0xFFFFFF80] =	vst v3  }
0xc4: {  	v3 =	vld [tilespmem:s24+$0xFFFFFF90];
	_ =	sdelay $0x4  }
0xc5: {  	vm13 =	vgt.f32 v3, v2  }
0xc6: {  	v3 =	vsel vm13, v0, v1  }
0xc7: {  	[tilespmem:s23+$0xFFFFFF90] =	vst v3  }
0xc8: {  	v3 =	vld [tilespmem:s24+$0xFFFFFFA0];
	_ =	sdelay $0x4  }
0xc9: {  	vm14 =	vgt.f32 v3, v2  }
0xca: {  	v3 =	vsel vm14, v0, v1  }
0xcb: {  	[tilespmem:s23+$0xFFFFFFA0] =	vst v3  }
0xcc: {  	v3 =	vld [tilespmem:s24+$0xFFFFFFB0];
	_ =	sdelay $0x4  }
0xcd: {  	vm15 =	vgt.f32 v3, v2  }
0xce: {  	v3 =	vsel vm15, v0, v1  }
0xcf: {  	[tilespmem:s23+$0xFFFFFFB0] =	vst v3  }
0xd0: {  	v3 =	vld [tilespmem:s24+$0xFFFFFFC0];
	_ =	sdelay $0x4  }
0xd1: {  	vm4 =	vgt.f32 v3, v2  }
0xd2: {  	v3 =	vsel vm4, v0, v1  }
0xd3: {  	[tilespmem:s23+$0xFFFFFFC0] =	vst v3  }
0xd4: {  	v3 =	vld [tilespmem:s24+$0xFFFFFFD0];
	_ =	sdelay $0x4  }
0xd5: {  	vm5 =	vgt.f32 v3, v2  }
0xd6: {  	v3 =	vsel vm5, v0, v1  }
0xd7: {  	[tilespmem:s23+$0xFFFFFFD0] =	vst v3  }
0xd8: {  	v3 =	vld [tilespmem:s24+$0xFFFFFFE0];
	_ =	sdelay $0x4  }
0xd9: {  	vm6 =	vgt.f32 v3, v2  }
0xda: {  	v3 =	vsel vm6, v0, v1  }
0xdb: {  	[tilespmem:s23+$0xFFFFFFE0] =	vst v3  }
0xdc: {  	v3 =	vld [tilespmem:s24+$0xFFFFFFF0];
	_ =	sdelay $0x4  }
0xdd: {  	vm7 =	vgt.f32 v3, v2  }
0xde: {  	v3 =	vsel vm7, v0, v1  }
0xdf: {  	[tilespmem:s23+$0xFFFFFFF0] =	vst v3  }
0xe0: {  	v3 =	vld [tilespmem:s24+$0x0];
	_ =	sdelay $0x4  }
0xe1: {  	vm8 =	vgt.f32 v3, v2  }
0xe2: {  	v3 =	vsel vm8, v0, v1  }
0xe3: {  	[tilespmem:s23+$0x0] =	vst v3  }
0xe4: {  	v3 =	vld [tilespmem:s24+$0x10];
	_ =	sdelay $0x4  }
0xe5: {  	vm9 =	vgt.f32 v3, v2  }
0xe6: {  	v3 =	vsel vm9, v0, v1  }
0xe7: {  	[tilespmem:s23+$0x10] =	vst v3  }
0xe8: {  	v3 =	vld [tilespmem:s24+$0x20];
	_ =	sdelay $0x4  }
0xe9: {  	vm10 =	vgt.f32 v3, v2  }
0xea: {  	v3 =	vsel vm10, v0, v1  }
0xeb: {  	[tilespmem:s23+$0x20] =	vst v3  }
0xec: {  	v3 =	vld [tilespmem:s24+$0x30];
	_ =	sdelay $0x4  }
0xed: {  	vm11 =	vgt.f32 v3, v2  }
0xee: {  	v3 =	vsel vm11, v0, v1  }
0xef: {  	[tilespmem:s23+$0x30] =	vst v3  }
0xf0: {  	v3 =	vld [tilespmem:s24+$0x40];
	_ =	sdelay $0x4  }
0xf1: {  	vm12 =	vgt.f32 v3, v2  }
0xf2: {  	v3 =	vsel vm12, v0, v1  }
0xf3: {  	[tilespmem:s23+$0x40] =	vst v3  }
0xf4: {  	v3 =	vld [tilespmem:s24+$0x50];
	_ =	sdelay $0x4  }
0xf5: {  	vm13 =	vgt.f32 v3, v2  }
0xf6: {  	v3 =	vsel vm13, v0, v1  }
0xf7: {  	[tilespmem:s23+$0x50] =	vst v3  }
0xf8: {  	v3 =	vld [tilespmem:s24+$0x60];
	_ =	sdelay $0x4  }
0xf9: {  	vm14 =	vgt.f32 v3, v2  }
0xfa: {  	v3 =	vsel vm14, v0, v1  }
0xfb: {  	[tilespmem:s23+$0x60] =	vst v3  }
0xfc: {  	v3 =	vld [tilespmem:s24+$0x70];
	_ =	sdelay $0x4  }
0xfd: {  	vm15 =	vgt.f32 v3, v2  }
0xfe: {  	v3 =	vsel vm15, v0, v1  }
0xff: {  	s25 =	simm.s32 $0x3A90;
	s24 =	simm.s32 $0x0;
	[tilespmem:s23+$0x70] =	vst v3  }
.LBB2_9:
0x100: {  	v3 =	vld [tilespmem:s25+$0xFFFFFF80];
	s24 =	sadd.s32 $0x4, s24  }
0x101: {  	p0 =	slt.u32 s24, $0x7C;
	_ =	sdelay $0x3  }
0x102: {  	vm0 =	vgt.f32 v3, v2  }
0x103: {  	s23 =	sadd.s32 $0x100, s23;
	v3 =	vsel vm0, v0, v1  }
0x104: {  	[tilespmem:s23+$0xFFFFFF80] =	vst v3  }
0x105: {  	v3 =	vld [tilespmem:s25+$0xFFFFFF90];
	_ =	sdelay $0x4  }
0x106: {  	vm0 =	vgt.f32 v3, v2  }
0x107: {  	v3 =	vsel vm0, v0, v1  }
0x108: {  	[tilespmem:s23+$0xFFFFFF90] =	vst v3  }
0x109: {  	v3 =	vld [tilespmem:s25+$0xFFFFFFA0];
	_ =	sdelay $0x4  }
0x10a: {  	vm0 =	vgt.f32 v3, v2  }
0x10b: {  	v3 =	vsel vm0, v0, v1  }
0x10c: {  	[tilespmem:s23+$0xFFFFFFA0] =	vst v3  }
0x10d: {  	v3 =	vld [tilespmem:s25+$0xFFFFFFB0];
	_ =	sdelay $0x4  }
0x10e: {  	vm0 =	vgt.f32 v3, v2  }
0x10f: {  	v3 =	vsel vm0, v0, v1  }
0x110: {  	[tilespmem:s23+$0xFFFFFFB0] =	vst v3  }
0x111: {  	v3 =	vld [tilespmem:s25+$0xFFFFFFC0];
	_ =	sdelay $0x4  }
0x112: {  	vm0 =	vgt.f32 v3, v2  }
0x113: {  	v3 =	vsel vm0, v0, v1  }
0x114: {  	[tilespmem:s23+$0xFFFFFFC0] =	vst v3  }
0x115: {  	v3 =	vld [tilespmem:s25+$0xFFFFFFD0];
	_ =	sdelay $0x4  }
0x116: {  	vm0 =	vgt.f32 v3, v2  }
0x117: {  	v3 =	vsel vm0, v0, v1  }
0x118: {  	[tilespmem:s23+$0xFFFFFFD0] =	vst v3  }
0x119: {  	v3 =	vld [tilespmem:s25+$0xFFFFFFE0];
	_ =	sdelay $0x4  }
0x11a: {  	vm0 =	vgt.f32 v3, v2  }
0x11b: {  	v3 =	vsel vm0, v0, v1  }
0x11c: {  	[tilespmem:s23+$0xFFFFFFE0] =	vst v3  }
0x11d: {  	v3 =	vld [tilespmem:s25+$0xFFFFFFF0];
	_ =	sdelay $0x4  }
0x11e: {  	vm0 =	vgt.f32 v3, v2  }
0x11f: {  	v3 =	vsel vm0, v0, v1  }
0x120: {  	[tilespmem:s23+$0xFFFFFFF0] =	vst v3  }
0x121: {  	v3 =	vld [tilespmem:s25+$0x0];
	_ =	sdelay $0x4  }
0x122: {  	vm0 =	vgt.f32 v3, v2  }
0x123: {  	v3 =	vsel vm0, v0, v1  }
0x124: {  	[tilespmem:s23+$0x0] =	vst v3  }
0x125: {  	v3 =	vld [tilespmem:s25+$0x10];
	_ =	sdelay $0x4  }
0x126: {  	vm0 =	vgt.f32 v3, v2  }
0x127: {  	v3 =	vsel vm0, v0, v1  }
0x128: {  	[tilespmem:s23+$0x10] =	vst v3  }
0x129: {  	v3 =	vld [tilespmem:s25+$0x20];
	_ =	sdelay $0x4  }
0x12a: {  	vm0 =	vgt.f32 v3, v2  }
0x12b: {  	v3 =	vsel vm0, v0, v1  }
0x12c: {  	[tilespmem:s23+$0x20] =	vst v3  }
0x12d: {  	v3 =	vld [tilespmem:s25+$0x30];
	_ =	sdelay $0x4  }
0x12e: {  	vm0 =	vgt.f32 v3, v2  }
0x12f: {  	v3 =	vsel vm0, v0, v1  }
0x130: {  	[tilespmem:s23+$0x30] =	vst v3  }
0x131: {  	v3 =	vld [tilespmem:s25+$0x40];
	_ =	sdelay $0x4  }
0x132: {  	vm0 =	vgt.f32 v3, v2  }
0x133: {  	v3 =	vsel vm0, v0, v1  }
0x134: {  	[tilespmem:s23+$0x40] =	vst v3  }
0x135: {  	v3 =	vld [tilespmem:s25+$0x50];
	_ =	sdelay $0x4  }
0x136: {  	vm0 =	vgt.f32 v3, v2  }
0x137: {  	v3 =	vsel vm0, v0, v1  }
0x138: {  	[tilespmem:s23+$0x50] =	vst v3  }
0x139: {  	v3 =	vld [tilespmem:s25+$0x60];
	_ =	sdelay $0x4  }
0x13a: {  	vm0 =	vgt.f32 v3, v2  }
0x13b: {  	v3 =	vsel vm0, v0, v1  }
0x13c: {  	[tilespmem:s23+$0x60] =	vst v3  }
0x13d: {  	v3 =	vld [tilespmem:s25+$0x70];
	_ =	sdelay $0x2  }
.Ltmp6:
0x13e: {  	(pc) =	sbr.rel @p0 .LBB2_9-.Ltmp6, $4  }
0x13f: {  	_ = 	snop  }
0x140: {  	vm0 =	vgt.f32 v3, v2  }
0x141: {  	v3 =	vsel vm0, v0, v1  }
0x142: {  	s25 =	sadd.s32 $0x100, s25;
	[tilespmem:s23+$0x70] =	vst v3  }
0x143: {  	p0 =	seq.s32 s22, $0x18  }
.Ltmp7:
0x144: {  	_ = 	snop;
	(pc) =	sbr.rel @p0 .LBB2_12-.Ltmp7, $4  }
0x145: {  	_ = 	snop  }
0x146: {  	s23 =	sshll.u32 s22, $0xB  }
0x147: {  	s23 =	sadd.s32 s9, s23  }
0x148: {  	[hbm4b:s23+s3] =	stream.linear.scatter [tilespmem:s19], [sflag:$0x4], $0x2000, $0x38;
	[tilespmem:$0x9910] =	vst v63  }
.Ltmp8:
0x149: {  	(pc) =	sbr.rel .LBB2_2-.Ltmp8, $4  }
0x14a: {  	s23 =	sshll.u32 s22, $0x8  }
0x14b: {  	s23 =	sand.u32 $0x3FFFFF00, s23  }
0x14c: {  	s22 =	sadd.s32 $0x1, s22;
	s23 =	sadd.s32 $0x180, s23  }
0x14d: {  	[tilespmem:s14], [sflag:$0x2] =	stream.indirect.gather [hbm4b:s4+s12], $0x40, s23, s12, $0xb8;
	[tilespmem:$0x9910] =	vst v63  }
.LBB2_13:
0x14e: {  	_ =	sfence.sel $0x180000  }
0x14f: {  	[bflag:$0x0] =	sbarrier.arrive $0xFFFF  }
0x150: {  	p0 =	sne.s32 s0, $0x0;
	_ =	strace $0x9000004A  }
0x151: {  	s0 =	sadd.s32 @!p0 $0x100000, s1;
	[bflag:$0x2] =	sbarrier.arrive $0xFFFF  }
0x152: {  	[sflag:s0] =	ssyncadd.tile.s32 @!p0 $0x1;
	_ =	shalt  }
.Lfunc_end2:
_tile_overlayer_lowered:
.L_overlay_start_2:
0x153: {  	(tag) =	ssettag $0x2  }
0x154: {  	s0 =	rddreg [dreg:$0x0];
	s2 =	stileid.u32  }
0x155: {  	s1 =	rddreg [dreg:$0x1];
	p0 =	sne.s32 s2, $0x0  }
0x156: {  	s3 =	rddreg [dreg:$0x2];
	[bflag:$0x3] =	sbarrier.arrive $0xFFFF;
	s2 =	simm.s32 @!p0 $0x1C05  }
0x157: {  	[timem:s3], [sflag:s2] =	dma.local @!p0 [hbm:s0], s1  }
0x158: {  	s0 =	simm.s32 @!p0 $0x5  }
0x159: {  	_ =	swait.ge @!p0 [sflag:s0], s1  }
0x15a: {  	s1 =	ssub.s32 @!p0 $0x0, s1;
	[sflag:s0] =	ssyncset.done @!p0 $0x0  }
0x15b: {  	[sflag:s0] =	ssyncadd.s32 @!p0 s1  }
0x15c: {  	[bflag:$0x3] =	sbarrier.arrive $0xFFFF  }
0x15d: {  	_ =	shalt  }

// kernel: sparse-core-data-format-call.cloned.1.call-start
scs
called_computation_lowered:
.L_overlay_start_0:
0x0: {  	s2 =	sld [smem:$0x3FD9]  }
0x1: {  	s3 =	sld [smem:$0x3FFE];
	_ =	sdelay $0x1  }
0x2: {  	s1 =	srdreg.scid  }
0x3: {  	s0 =	sand.u32 $0x1, s1  }
0x4: {  	s18 =	sshll.u32 s0, $0xA;
	s2 =	sadd.s32 s3, s2  }
0x5: {  	s2 =	sadd.s32 s2, s18  }
0x6: {  	[smem:$0x3FC6] =	sst s2  }
0x7: {  	_ = 	snop  }
0x8: {  	s2 =	sld [smem:$0x3FD0];
	(tm) =	ssettm $0x1  }
0x9: {  	s19 =	sld [smem:$0x3FFB];
	_ =	sdelay $0x3  }
0xa: {  	_ =	strace s19  }
0xb: {  	s3 =	sld [smem:$0x3FFC];
	_ =	sdelay $0x3  }
0xc: {  	_ =	strace s3  }
0xd: {  	s3 =	sld [smem:$0x3FFD];
	_ =	sdelay $0x3  }
0xe: {  	_ =	strace s3  }
0xf: {  	_ =	strace $0x8FFFFFFF  }
0x10: {  	s20 =	sld [smem:$0x3FDB];
	_ =	sdelay $0x1  }
0x11: {  	s4 =	simm.s32 $_scs_section_size  }
0x12: {  	s5 =	simm.s32 $_size__tile_overlayer_lowered;
	s6 =	simm.s32 $_tile_overlayer_lowered  }
0x13: {  	s23 =	simm.s32 $0x1BFF;
	s22 =	sshll.u32 s6, $0x1;
	s3 =	sadd.s32 s4, s20  }
0x14: {  	s7 =	simm.s32 $0x0;
	s21 =	sshll.u32 s5, $0x1;
	s5 =	sadd.s32 s22, s3  }
0x15: {  	[timem:s7], [sflag:s23] =	dma.local [hbm:s5], s21  }
0x16: {  	_ =	swait.ge [sflag:s23], s21  }
0x17: {  	s4 =	ssub.s32 $0x0, s21;
	[sflag:s23] =	ssyncset.done $0x0  }
0x18: {  	[sflag:s23] =	ssyncadd.s32 s4;
	_ =	sdelay $0x1  }
0x19: {  	s24 =	simm.s32 $0x1B8B  }
0x1a: {  	_ =	swait.ge [sflag:s24], $0x1  }
0x1b: {  	[sflag:s24] =	ssyncset.done $0x0  }
0x1c: {  	s26 =	simm.s32 $0x1B8E;
	s25 =	sld [smem:$0x3FFE];
	[sflag:s24] =	ssyncadd.s32 $0xFFFFFFFF  }
0x1d: {  	s27 =	simm.s32 $execute0_lowered;
	[smem:$0x3FD2] =	sst s26  }
0x1e: {  	s5 =	sshll.u32 s27, $0x1;
	_ =	strace $0x8000004C;
	[dreg:$0x1] =	wrdreg $0xFFFFFFFF  }
0x1f: {  	s28 =	simm.s32 $_size_execute0_lowered;
	s3 =	sadd.s32 s3, s5;
	[dreg:$0x0] =	wrdreg $0x0  }
0x20: {  	s5 =	sshll.u32 s28, $0x1;
	[dreg:$0x2] =	wrdreg s3  }
0x21: {  	[dreg:$0x3] =	wrdreg s5  }
0x22: {  	[dreg:$0x4] =	wrdreg $0xC0  }
0x23: {  	_ =	task [dreg:s7], $0x5FFFF  }
0x24: {  	[dreg:$0x1] =	wrdreg $0xFFFFFFFF  }
0x25: {  	[dreg:$0x0] =	wrdreg $0x60  }
0x26: {  	[dreg:$0x2] =	wrdreg s25  }
0x27: {  	[dreg:$0x3] =	wrdreg s2  }
0x28: {  	[dreg:$0x4] =	wrdreg $0x9  }
0x29: {  	_ =	task.clear_ibuf [dreg:s7], $0x5FFFF;
	_ =	strace $0x9000004C  }
0x2a: {  	s29 =	simm.s32 $0x9;
	_ =	strace $0x8000004E  }
0x2b: {  	_ =	swait.ge [sflag:s29], $0x1  }
0x2c: {  	[sflag:s29] =	ssyncadd.s32 $0xFFFFFFFF  }
0x2d: {  	_ =	strace $0x9000004E  }
0x2e: {  	_ =	sfence  }
0x2f: {  	s30 =	sld [smem:$0x0];
	_ =	sdelay $0x2  }
0x30: {  	s31 =	sshll.u32 s1, $0xD;
	s1 =	sshrl.u32 s1, $0x2  }
0x31: {  	s3 =	sand.u32 $0x4000, s31;
	s1 =	sadd.s32 s1, s30  }
0x32: {  	s0 =	sor.u32 s3, s0;
	s1 =	sshll.u32 s1, $0x11  }
0x33: {  	s0 =	sor.u32 s1, s0  }
0x34: {  	s0 =	sadd.s32 $0x8F2B, s0  }
0x35: {  	[sflag:s0] =	ssyncadd.remote.s32 $0x1  }
0x36: {  	_ =	sfence.sel $0xFFFF  }
0x37: {  	[dreg:$0x0] =	wrdreg $0xFFFFFFFF;
	(pc) =	sbr.abs _section_cstart, $3  }
0x38: {  	[dreg:$0x1] =	wrdreg $0xFFFFFFFF  }
0x39: {  	_ =	task.clear_ibuf [dreg:s7], $0x2FFFF;
	_ =	strace $0x9FFFFFFF  }
0x3a: {  	(tm) =	ssettm $0x7FFFFFFF  }
0x3b: {  	_ =	shalt  }
tec
execute0_lowered:
.L_overlay_start_1:
0x0: {  	(tag) =	ssettag $0x1  }
0x1: {  	s0 =	srdreg.scid  }
0x2: {  	s1 =	sshll.u32 s0, $0x4  }
0x3: {  	s0 =	stileid.u32;
	s1 =	sand.u32 $0x10, s1  }
0x4: {  	s1 =	sor.u32 s0, s1  }
0x5: {  	s6 =	rddreg [dreg:$0x0];
	s4 =	simm.s32 $0x1;
	s2 =	sshll.u32 s1, $0x7  }
0x6: {  	s7 =	simm.s32 $0x2;
	s12 =	simm.s32 $0x0;
	s1 =	ssub.s32 $0x1000, s2  }
0x7: {  	s8 =	simm.s32 $0x8000;
	s13 =	simm.s32 $0x0;
	s3 =	sand.u32 $0xF80, s1  }
0x8: {  	s9 =	simm.s32 $0x0;
	s5 =	sshrl.u32 s1, $0xC;
	p0 =	sne.s32 s3, $0x0  }
.Ltmp0:
0x9: {  	s1 =	rddreg [dreg:$0x2];
	s4 =	simm.s32 @!p0 $0x0;
	(pc) =	sbr.rel .LBB1_1-.Ltmp0, $4  }
0xa: {  	s11 =	simm.s32 $0x0;
	s3 =	rddreg [dreg:$0x1];
	s5 =	sadd.s32 s4, s5  }
0xb: {  	_ =	strace $0x8000004D;
	s4 =	simm.s32 $0x1;
	s5 =	smul.u32 $0x32, s5  }
0xc: {  	s6 =	sadd.s32 $0xA00, s6;
	s10 =	smov.u32 s2;
	[sflag:s4] =	ssyncpa.u1 $0x0  }
0xd: {  	p0 =	por $0x0, $0x0;
	[sflag:s7] =	ssyncpa.u1 $0x0;
	s7 =	sor.u32 $0x1, s5  }
.LBB1_4:
0xe: {  	s16 =	sshll.u32 s13, $0x3;
	s17 =	sand.u32 $0x78, s13  }
0xf: {  	s30 =	sand.u32 $0x7E00, s13;
	s12 =	sshll.u32 s12, $0xF;
	s16 =	sand.u32 $0xC00, s16  }
0x10: {  	[tilespmem:s15+$0x810 ss:$0x81] =	vst.msk $0xffff, v2;
	s31 =	sand.u32 $0x7, s13;
	s16 =	sor.u32 s17, s16;
	s17 =	sadd.s32 s3, s30  }
0x11: {  	[tilespmem:s15+$0x1020 ss:$0x81] =	vst.msk $0xffff, v0;
	s13 =	sshll.u32 s31, $0x12;
	s12 =	sadd.s32 s12, s17;
	s16 =	sshrl.u32 s16, $0x3  }
0x12: {  	[tilespmem:s15+$0x0 ss:$0x81] =	vst.msk $0xffff, v1;
	s13 =	sor.u32 $0x400, s13;
	s12 =	sadd.s32 s16, s12  }
0x13: {  	[hbm4b:s12+s13] =	stream.strided.scatter [tilespmem:s14], [sflag:$0x2], $0x2000, s8, s13, $0x20;
	[tilespmem:$0x8080] =	vst v63  }
.LBB1_5:
0x14: {  	s14 =	sadd.s32 $0x1, s9  }
0x15: {  	s12 =	sadd.s32 $0x1000, s10;
	s16 =	smov.u32 s10;
	p2 =	sgt.s32 s14, $0x31  }
0x16: {  	s16 =	smov.u32 @p2 s12  }
0x17: {  	s14 =	simm.s32 @p2 $0x0;
	p2 =	sgt.s32 s16, $0xFFF  }
0x18: {  	s16 =	smov.u32 @p2 s2;
	p2 =	sne.s32 s11, s7  }
.Ltmp1:
0x19: {  	p1 =	slt.u32 s11, $0x2;
	(pc) =	sbr.rel @!p2 .LBB1_6-.Ltmp1, $4  }
0x1a: {  	s15 =	simm.s32 @!p1 $0x2  }
0x1b: {  	s13 =	smov.u32 s10;
	p0 =	por !p0, !p0;
	_ =	swait.ge @!p1 [sflag:s15], $0x2000  }
0x1c: {  	s12 =	smov.u32 s9;
	[sflag:s15] =	ssyncset.done @!p1 $0x0;
	s9 =	smov.u32 s14  }
0x1d: {  	s11 =	sadd.s32 $0x1, s11;
	[sflag:s15] =	ssyncadd.s32 @!p1 $0xFFFFE000;
	s10 =	smov.u32 s16  }
.LBB1_1:
0x1e: {  	p1 =	sge.u32 s11, s5  }
0x1f: {  	s14 =	sand.u32 @!p1 $0x1FFFFFF, s9  }
0x20: {  	s15 =	smulhi.u32 @!p1 $0x4924925, s14;
	_ =	sdelay $0x1  }
0x21: {  	s15 =	smul.u32 @!p1 $0x38, s15  }
0x22: {  	s16 =	sxor.u32 @!p1 $0xFFFFFFFF, s11;
	s17 =	smul.u32 @!p1 $0x380, s10  }
0x23: {  	s31 =	sadd.s32 $0xFFFFFFFF, s11;
	s16 =	sshll.u32 @!p1 s16, $0xD;
	s14 =	ssub.s32 @!p1 s14, s15  }
0x24: {  	s15 =	sand.u32 @!p1 $0x2000, s16;
	s16 =	sadd.s32 @!p1 s6, s17;
	s14 =	sshll.u32 @!p1 s14, $0x4  }
0x25: {  	s17 =	simm.s32 @!p1 $0x1C00;
	s14 =	sadd.s32 @!p1 s14, s16;
	s16 =	simm.s32 @!p1 $0x40  }
0x26: {  	[tilespmem:s15], [sflag:$0x1] =	stream.strided.gather @!p1 [hbm4b:s14+s16], $0x2000, s17, s16, $0x38;
	[tilespmem:$0x8080] =	vst v63  }
0x27: {  	p1 =	sge.u32 s31, s5  }
.Ltmp2:
0x28: {  	_ = 	snop;
	(pc) =	sbr.rel @p1 .LBB1_5-.Ltmp2, $1  }
0x29: {  	_ =	sdelay $0x3  }
0x2a: {  	s14 =	simm.s32 $0x1  }
0x2b: {  	_ =	swait.ge [sflag:s4], $0x2000;
	s14 =	simm.s32 @!p0 $0x0  }
0x2c: {  	[sflag:s4] =	ssyncset.done $0x0;
	s15 =	sshll.u32 s14, $0xD  }
0x2d: {  	[sflag:s4] =	ssyncadd.s32 $0xFFFFE000;
	s18 =	sor.u32 $0x20, s15  }
0x2e: {  	s14 =	smul.u32 $0x8100, s14;
	v3 =	vld [tilespmem:s18+$0x10]  }
0x2f: {  	s30 =	sand.u32 $0x1, s11;
	v2 =	vld [tilespmem:s18+$0xFFFFFFF0]  }
0x30: {  	s15 =	smul.u32 $0x8100, s30;
	s14 =	sshrl.u32 s14, $0x2;
	v0 =	vld [tilespmem:s18+$0x0]  }
0x31: {  	v1 =	vld [tilespmem:s18+$0xFFFFFFE0];
	s16 =	sor.u32 $0x4000, s14  }
0x32: {  	s31 =	sshrl.u32 s15, $0x2;
	s15 =	sadd.s32 $0x0, s16  }
0x33: {  	s17 =	simm.s32 $0x4;
	s18 =	sadd.s32 $0x40, s18;
	s14 =	sor.u32 $0x4000, s31;
	[tilespmem:s15+$0x1830 ss:$0x81] =	vst.msk $0xffff, v3  }
.LBB1_3:
0x34: {  	v3 =	vld [tilespmem:s18+$0x10];
	p1 =	sne.s32 s17, $0x1FC;
	[tilespmem:s15+$0x810 ss:$0x81] =	vst.msk $0xffff, v2;
	s19 =	smov.u32 s17;
	s17 =	sadd.s32 $0x4, s17  }
.Ltmp3:
0x35: {  	v2 =	vld [tilespmem:s18+$0xFFFFFFF0];
	[tilespmem:s15+$0x1020 ss:$0x81] =	vst.msk $0xffff, v0;
	(pc) =	sbr.rel @p1 .LBB1_3-.Ltmp3, $4  }
0x36: {  	v0 =	vld [tilespmem:s18+$0x0];
	[tilespmem:s15+$0x0 ss:$0x81] =	vst.msk $0xffff, v1  }
0x37: {  	s15 =	sshra.s32 s19, $0x2;
	v1 =	vld [tilespmem:s18+$0xFFFFFFE0]  }
0x38: {  	s15 =	sadd.s32 s15, s16  }
0x39: {  	s18 =	sadd.s32 $0x40, s18;
	[tilespmem:s15+$0x1830 ss:$0x81] =	vst.msk $0xffff, v3  }
.Ltmp4:
0x3a: {  	_ = 	snop;
	(pc) =	sbr.rel .LBB1_4-.Ltmp4, $1  }
0x3b: {  	_ =	sdelay $0x3  }
.LBB1_6:
0x3c: {  	_ =	sfence.sel $0x180000  }
0x3d: {  	s2 =	simm.s32 $0x1;
	[bflag:$0x0] =	sbarrier.arrive $0xFFFF  }
0x3e: {  	s31 =	simm.s32 $0x2;
	[sflag:s2] =	ssyncpa.u1 $0x1  }
0x3f: {  	[sflag:s31] =	ssyncpa.u1 $0x1  }
0x40: {  	p0 =	sne.s32 s0, $0x0;
	_ =	strace $0x9000004D  }
0x41: {  	s0 =	sadd.s32 @!p0 $0x100000, s1;
	[bflag:$0x2] =	sbarrier.arrive $0xFFFF  }
0x42: {  	[sflag:s0] =	ssyncadd.tile.s32 @!p0 $0x1;
	_ =	shalt  }
.Lfunc_end1:
_tile_overlayer_lowered:
.L_overlay_start_2:
0x43: {  	(tag) =	ssettag $0x2  }
0x44: {  	s0 =	rddreg [dreg:$0x0];
	s2 =	stileid.u32  }
0x45: {  	s1 =	rddreg [dreg:$0x1];
	p0 =	sne.s32 s2, $0x0  }
0x46: {  	s3 =	rddreg [dreg:$0x2];
	[bflag:$0x3] =	sbarrier.arrive $0xFFFF;
	s2 =	simm.s32 @!p0 $0x1C01  }
0x47: {  	[timem:s3], [sflag:s2] =	dma.local @!p0 [hbm:s0], s1  }
0x48: {  	s0 =	simm.s32 @!p0 $0x1  }
0x49: {  	_ =	swait.ge @!p0 [sflag:s0], s1  }
0x4a: {  	s1 =	ssub.s32 @!p0 $0x0, s1;
	[sflag:s0] =	ssyncset.done @!p0 $0x0  }
0x4b: {  	[sflag:s0] =	ssyncadd.s32 @!p0 s1  }
0x4c: {  	[bflag:$0x3] =	sbarrier.arrive $0xFFFF  }
0x4d: {  	_ =	shalt  }

</sc_bundles>
